<compile_context>
chip_gen: v7x
topology: tpu7x:2x2x1
jax: 0.10.2.dev20260603
libtpu: 0.0.44.dev20260713+nightly
codegen_flags: <defaults>
</compile_context>

<pallas_src>
import functools

import jax
import jax.numpy as jnp
from jax import lax
from jax.experimental import pallas as pl
from jax.experimental.pallas import tpu as pltpu
from jax.experimental.pallas import tpu_sc as plsc

N = 10000
E = 320000
D = 128
H = 64
K1 = 100
K2 = 25

NP = 10240
NTILES = 32
CH = 128
NCH = 80
EPT = CH * NCH
EP = NTILES * EPT
DUMMY = 10200
ROWS_PER_SUB = NP // 16

CH2 = 2048
NCH2 = 157
EP2 = CH2 * NCH2

_mesh = plsc.VectorSubcoreMesh(core_axis_name="c", subcore_axis_name="s")


@functools.partial(
    pl.kernel,
    mesh=_mesh,
    out_type=jax.ShapeDtypeStruct((NTILES, ROWS_PER_SUB, 16), jnp.float32),
    compiler_params=pltpu.CompilerParams(use_tc_tiling_on_sc=False),
    scratch_types=[
        pltpu.VMEM((NCH, CH), jnp.int32),
        pltpu.VMEM((CH, 16), jnp.float32),
        pltpu.VMEM_SHARED((NP, 16), jnp.float32),
        pltpu.SemaphoreType.DMA,
    ],
)
def _sc_deg(dst3, ones_hbm, zeros_hbm, out, idx_v, ones_v, acc, sem):
    c = lax.axis_index("c")
    s = lax.axis_index("s")
    wid = c * 16 + s
    pltpu.sync_copy(dst3.at[wid], idx_v)
    pltpu.sync_copy(ones_hbm, ones_v)
    pltpu.sync_copy(zeros_hbm, acc.at[pl.ds(s * ROWS_PER_SUB, ROWS_PER_SUB)])
    plsc.subcore_barrier()

    def body(j, carry):
        pltpu.sync_copy(ones_v, acc.at[idx_v.at[j]], add=True)
        return carry

    lax.fori_loop(0, NCH, body, 0)
    plsc.subcore_barrier()
    pltpu.sync_copy(acc.at[pl.ds(s * ROWS_PER_SUB, ROWS_PER_SUB)], out.at[wid])


@functools.partial(
    pl.kernel,
    mesh=_mesh,
    out_type=jax.ShapeDtypeStruct((NTILES, ROWS_PER_SUB, H), jnp.float32),
    compiler_params=pltpu.CompilerParams(use_tc_tiling_on_sc=False),
    scratch_types=[
        pltpu.VMEM((NCH, CH), jnp.int32),
        pltpu.VMEM((NCH, CH), jnp.int32),
        pltpu.VMEM((CH, H), jnp.float32),
        pltpu.VMEM((CH, H), jnp.float32),
        pltpu.VMEM_SHARED((NP, H), jnp.float32),
        pltpu.VMEM_SHARED((NP, H), jnp.float32),
        pltpu.SemaphoreType.DMA,
        pltpu.SemaphoreType.DMA,
    ],
)
def _sc_agg(y_hbm, src3, dst3, zeros_hbm, out,
            sidx, didx, rows0, rows1, acc, y_sh, sem0, sem1):
    c = lax.axis_index("c")
    s = lax.axis_index("s")
    wid = c * 16 + s
    row_slc = pl.ds(s * ROWS_PER_SUB, ROWS_PER_SUB)
    pltpu.sync_copy(src3.at[wid], sidx)
    pltpu.sync_copy(dst3.at[wid], didx)
    pltpu.sync_copy(y_hbm.at[row_slc], y_sh.at[row_slc])
    pltpu.sync_copy(zeros_hbm, acc.at[row_slc])
    plsc.subcore_barrier()

    pltpu.async_copy(y_sh.at[sidx.at[0]], rows0, sem0)

    def body(i, carry):
        j = 2 * i
        pltpu.async_copy(y_sh.at[sidx.at[j + 1]], rows1, sem1)
        pltpu.make_async_copy(y_sh.at[sidx.at[j]], rows0, sem0).wait()
        pltpu.sync_copy(rows0, acc.at[didx.at[j]], add=True)

        @pl.when(j + 2 < NCH)
        def _():
            pltpu.async_copy(y_sh.at[sidx.at[j + 2]], rows0, sem0)

        pltpu.make_async_copy(y_sh.at[sidx.at[j + 1]], rows1, sem1).wait()
        pltpu.sync_copy(rows1, acc.at[didx.at[j + 1]], add=True)
        return carry

    lax.fori_loop(0, NCH // 2, body, 0)
    plsc.subcore_barrier()
    pltpu.sync_copy(acc.at[pl.ds(s * ROWS_PER_SUB, ROWS_PER_SUB)], out.at[wid])


def _tc_pre_body(x_ref, w1_ref, degp_ref, y_ref, dinv_ref):
    deg = 1.0 + degp_ref[0, :, 0:1] + degp_ref[1, :, 0:1]
    dinv = lax.rsqrt(deg)
    xw = jnp.dot(x_ref[...], w1_ref[...], preferred_element_type=jnp.float32)
    y_ref[...] = xw * dinv
    dinv_ref[...] = dinv


def _tc_pre(x_pad, W1, degp):
    return pl.pallas_call(
        _tc_pre_body,
        out_shape=(
            jax.ShapeDtypeStruct((NP, H), jnp.float32),
            jax.ShapeDtypeStruct((NP, 1), jnp.float32),
        ),
    )(x_pad, W1, degp)


def _topk_loop(score, ii, k, vals_ref, perm_ref):

    def body(i, sc):
        gmax = jnp.max(sc)
        msk = sc == gmax
        idx = jnp.min(jnp.where(msk, ii, jnp.int32(2 ** 30)))
        vals_ref[pl.ds(i, 1), :] = gmax.reshape(1, 1)
        perm_ref[pl.ds(i, 1), :] = idx.reshape(1, 1)
        return jnp.where(ii == idx, jnp.float32(-2.0), sc)

    lax.fori_loop(0, k, body, score)
    return vals_ref[...], perm_ref[...]


def _tc_main_body(aggp_ref, y_ref, dinv_ref, src2_ref, dst2_ref,
                  b1_ref, p1_ref, w2_ref, b2_ref, p2_ref, w3_ref, b3_ref,
                  wl_ref, bl_ref, out_ref,
                  vals1_ref, perm1_ref, vals2_ref, perm2_ref):
    f32 = jnp.float32
    agg = aggp_ref[0] + aggp_ref[1]
    dinv = dinv_ref[...]
    h1 = jax.nn.relu(dinv * (agg + y_ref[...]) + b1_ref[...])

    p1 = p1_ref[...]
    rn1 = lax.rsqrt(jnp.sum(p1 * p1))
    score = jnp.tanh(jnp.dot(h1, p1.T, preferred_element_type=f32) * rn1)
    ii = lax.broadcasted_iota(jnp.int32, (NP, 1), 0)
    score = jnp.where(ii < N, score, f32(-2.0))

    vals1, perm1 = _topk_loop(score, ii, K1, vals1_ref, perm1_ref)

    iirow = lax.broadcasted_iota(jnp.int32, (1, NP), 1)
    oh1 = (perm1 == iirow).astype(f32)
    h1p = jnp.dot(oh1, h1, preferred_element_type=f32) * vals1
    xs1 = jnp.sum(h1p, axis=0, keepdims=True)

    def c2_body(j, acc):
        srow = src2_ref[pl.ds(j, 1), :]
        drow = dst2_ref[pl.ds(j, 1), :]
        ohs = (perm1 == srow).astype(f32)
        ohd = (perm1 == drow).astype(f32)
        return acc + lax.dot_general(
            ohd, ohs, (((1,), (1,)), ((), ())),
            preferred_element_type=f32)

    C2 = lax.fori_loop(0, NCH2, c2_body, jnp.zeros((K1, K1), f32))

    deg2 = 1.0 + jnp.sum(C2, axis=1, keepdims=True)
    dinv2 = lax.rsqrt(deg2)
    ia = lax.broadcasted_iota(jnp.int32, (K1, K1), 0)
    ib = lax.broadcasted_iota(jnp.int32, (K1, K1), 1)
    eye1 = (ia == ib).astype(f32)
    A2 = C2 * dinv2 * dinv2.T + eye1 * (dinv2 * dinv2)
    xw2 = jnp.dot(h1p, w2_ref[...], preferred_element_type=f32)
    h2 = jax.nn.relu(jnp.dot(A2, xw2, preferred_element_type=f32) + b2_ref[...])

    p2 = p2_ref[...]
    rn2 = lax.rsqrt(jnp.sum(p2 * p2))
    score2 = jnp.tanh(jnp.dot(h2, p2.T, preferred_element_type=f32) * rn2)
    ii2 = lax.broadcasted_iota(jnp.int32, (K1, 1), 0)
    vals2, perm2 = _topk_loop(score2, ii2, K2, vals2_ref, perm2_ref)

    ii2row = lax.broadcasted_iota(jnp.int32, (1, K1), 1)
    oh2 = (perm2 == ii2row).astype(f32)
    h2p = jnp.dot(oh2, h2, preferred_element_type=f32) * vals2
    xs2 = jnp.sum(h2p, axis=0, keepdims=True)

    C3 = jnp.dot(jnp.dot(oh2, C2, preferred_element_type=f32),
                 oh2.T, preferred_element_type=f32)
    deg3 = 1.0 + jnp.sum(C3, axis=1, keepdims=True)
    dinv3 = lax.rsqrt(deg3)
    ja = lax.broadcasted_iota(jnp.int32, (K2, K2), 0)
    jb = lax.broadcasted_iota(jnp.int32, (K2, K2), 1)
    eye2 = (ja == jb).astype(f32)
    A3 = C3 * dinv3 * dinv3.T + eye2 * (dinv3 * dinv3)
    xw3 = jnp.dot(h2p, w3_ref[...], preferred_element_type=f32)
    h3 = jax.nn.relu(jnp.dot(A3, xw3, preferred_element_type=f32) + b3_ref[...])
    xs3 = jnp.sum(h3, axis=0, keepdims=True)

    feat = jnp.concatenate([xs3, xs2, xs1], axis=1)
    out_ref[...] = jnp.dot(feat, wl_ref[...], preferred_element_type=f32) + bl_ref[...]


def _tc_main(aggp, y, dinv, src2, dst2, b1, p1, W2, b2, p2, W3, b3, Wl, bl):
    return pl.pallas_call(
        _tc_main_body,
        out_shape=jax.ShapeDtypeStruct((1, 2), jnp.float32),
        scratch_shapes=[
            pltpu.VMEM((K1, 1), jnp.float32),
            pltpu.VMEM((K1, 1), jnp.int32),
            pltpu.VMEM((K2, 1), jnp.float32),
            pltpu.VMEM((K2, 1), jnp.int32),
        ],
    )(aggp, y, dinv, src2, dst2, b1, p1, W2, b2, p2, W3, b3, Wl, bl)


def kernel(x, edge_index, batch, W1, b1, W2, b2, W3, b3, p1, p2, Wl, bl):
    src = edge_index[0].astype(jnp.int32)
    dst = edge_index[1].astype(jnp.int32)

    pad_sc = jnp.full((EP - E,), DUMMY, jnp.int32)
    src3 = jnp.concatenate([src, pad_sc]).reshape(NTILES, NCH, CH)
    dst3 = jnp.concatenate([dst, pad_sc]).reshape(NTILES, NCH, CH)
    pad2 = jnp.full((EP2 - E,), DUMMY, jnp.int32)
    src2 = jnp.concatenate([src, pad2]).reshape(NCH2, CH2)
    dst2 = jnp.concatenate([dst, pad2]).reshape(NCH2, CH2)

    x_pad = jnp.zeros((NP, D), jnp.float32).at[:N].set(x)

    ones16 = jnp.ones((CH, 16), jnp.float32)
    zeros16 = jnp.zeros((ROWS_PER_SUB, 16), jnp.float32)
    zerosH = jnp.zeros((ROWS_PER_SUB, H), jnp.float32)

    degp = _sc_deg(dst3, ones16, zeros16)
    degp = degp.reshape(2, NP, 16)
    y, dinv = _tc_pre(x_pad, W1, degp)
    aggp = _sc_agg(y, src3, dst3, zerosH)
    aggp = aggp.reshape(2, NP, H)

    return _tc_main(aggp, y, dinv, src2, dst2,
                    b1.reshape(1, H), p1.reshape(1, H),
                    W2, b2.reshape(1, H), p2.reshape(1, H),
                    W3, b3.reshape(1, H),
                    Wl, bl.reshape(1, 2))

# --- scband reference (transcript-rebuilt; emitter-appended) ---
"""Pipeline reference for scband-my-gcntop-kpool-1194000908386 (READ-ONLY COPY).

The authoritative reference and input builder live on the scoring server;
editing this copy changes nothing except your own understanding.
"""

import jax, jax.numpy as jnp
import numpy as np

N_NODES = 10000
N_EDGES = 320000
D_FEAT = 128
HIDDEN = 64
K1 = 100
K2 = 25
OUT = 2


def _glorot(k, shape):
    lim = (6.0 / (shape[0] + shape[1])) ** 0.5
    return jax.random.uniform(k, shape, dtype=jnp.float32, minval=-lim, maxval=lim)


def setup_inputs(seed: int = 0):
    key = jax.random.key(seed)
    ks = jax.random.split(key, 10)
    x = jax.random.normal(ks[0], (N_NODES, D_FEAT), dtype=jnp.float32)
    edge_index = jax.random.randint(ks[1], (2, N_EDGES), 0, N_NODES)
    batch = jnp.zeros((N_NODES,), dtype=jnp.int32)
    W1 = _glorot(ks[2], (D_FEAT, HIDDEN)); b1 = jnp.zeros((HIDDEN,), jnp.float32)
    W2 = _glorot(ks[3], (HIDDEN, HIDDEN)); b2 = jnp.zeros((HIDDEN,), jnp.float32)
    W3 = _glorot(ks[4], (HIDDEN, HIDDEN)); b3 = jnp.zeros((HIDDEN,), jnp.float32)
    p1 = jax.random.normal(ks[5], (HIDDEN,), dtype=jnp.float32) * 0.1
    p2 = jax.random.normal(ks[6], (HIDDEN,), dtype=jnp.float32) * 0.1
    Wl = _glorot(ks[7], (3 * HIDDEN, OUT)); bl = jnp.zeros((OUT,), jnp.float32)
    return {"x": x, "edge_index": edge_index, "batch": batch,
            "W1": W1, "b1": b1, "W2": W2, "b2": b2, "W3": W3, "b3": b3,
            "p1": p1, "p2": p2, "Wl": Wl, "bl": bl}


def gcn_conv(x, src, dst, ew, W, b):
    # GCNConv: add self-loops (weight 1), symmetric normalization, linear + bias
    n = x.shape[0]
    loop = jnp.arange(n, dtype=src.dtype)
    s = jnp.concatenate([src, loop])
    d = jnp.concatenate([dst, loop])
    w = jnp.concatenate([ew, jnp.ones((n,), x.dtype)])
    deg = jnp.zeros((n,), x.dtype).at[d].add(w)
    dinv = jnp.where(deg > 0, deg ** -0.5, 0.0)
    norm = dinv[s] * w * dinv[d]
    xw = x @ W
    out = jnp.zeros((n, xw.shape[1]), x.dtype).at[d].add(xw[s] * norm[:, None])
    return out + b


def topk_pool(x, src, dst, ew, batch, p, k):
    # TopKPooling with integer ratio k; batch is all-zeros (single graph) so
    # per-graph top-k reduces to global top-k. score = tanh(x@p / ||p||).
    n = x.shape[0]
    score = jnp.tanh((x @ p) / jnp.linalg.norm(p))
    vals, perm = jax.lax.top_k(score, k)
    x_new = x[perm] * vals[:, None]
    batch_new = batch[perm]
    mapping = jnp.full((n,), -1, dtype=src.dtype).at[perm].set(jnp.arange(k, dtype=src.dtype))
    ns = mapping[src]
    nd = mapping[dst]
    valid = (ns >= 0) & (nd >= 0)
    ns = jnp.where(valid, ns, 0)
    nd = jnp.where(valid, nd, 0)
    ew_new = ew * valid.astype(x.dtype)  # masked edges == removed edges (filter_adj)
    return x_new, ns, nd, ew_new, batch_new


def reference(x, edge_index, batch, W1, b1, W2, b2, W3, b3, p1, p2, Wl, bl):
    src = edge_index[0]
    dst = edge_index[1]
    batch = batch.astype(jnp.int32)
    ew = jnp.ones((src.shape[0],), x.dtype)
    h = jax.nn.relu(gcn_conv(x, src, dst, ew, W1, b1))
    h, src, dst, ew, batch = topk_pool(h, src, dst, ew, batch, p1, K1)
    xs = jax.ops.segment_sum(h, batch, num_segments=1)
    h = jax.nn.relu(gcn_conv(h, src, dst, ew, W2, b2))
    h, src, dst, ew, batch = topk_pool(h, src, dst, ew, batch, p2, K2)
    xs = jnp.concatenate([jax.ops.segment_sum(h, batch, num_segments=1), xs], axis=1)
    h = jax.nn.relu(gcn_conv(h, src, dst, ew, W3, b3))
    out = jnp.concatenate([jax.ops.segment_sum(h, batch, num_segments=1), xs], axis=1)
    return out @ Wl + bl

if __name__ == "__main__":
    import jax
    _d = setup_inputs()
    print(jax.jit(kernel)(*tuple(_d.values())))

</pallas_src>

<mosaic_0001>
#map = affine_map<(d0, d1) -> (0, 0, 0)>
#map1 = affine_map<(d0, d1) -> (0, 0)>
module attributes {stable_mosaic.version = 14 : i64} {
  func.func @_sc_deg(%arg0: i32, %arg1: i32, %arg2: memref<32x80x128xi32, #tpu.memory_space<hbm>>, %arg3: memref<128x16xf32, #tpu.memory_space<hbm>>, %arg4: memref<640x16xf32, #tpu.memory_space<hbm>>, %arg5: memref<32x640x16xf32, #tpu.memory_space<hbm>>, %arg6: memref<80x128xi32, #tpu.memory_space<vmem>>, %arg7: memref<128x16xf32, #tpu.memory_space<vmem>>, %arg8: memref<10240x16xf32, #tpu.memory_space<vmem_shared>>, %arg9: memref<!tpu.dma_semaphore, #tpu.memory_space<semaphore_mem>>) attributes {dimension_semantics = [#tpu.dimension_semantics<core_parallel>, #tpu.dimension_semantics<subcore_parallel>], iteration_bounds = array<i64: 2, 16>, scalar_prefetch = 0 : i64, scratch_operands = 4 : i64, tpu.core_type = #tpu.core_type<sc_vector_subcore>, window_params = [{transform_indices = #map}, {transform_indices = #map1}, {transform_indices = #map1}, {transform_indices = #map}]} {
    %mul3A = arith.constant 16 : i32
    %mul3A_0 = arith.muli %arg0, %mul3A : i32
    %add3A = arith.addi %mul3A_0, %arg1 : i32
    "tpu.region"() ({
      %run_scoped3A = tpu.sem_alloc : memref<!tpu.dma_semaphore, #tpu.memory_space<semaphore_mem>>
      %dma_start3A = arith.constant 0 : i32
      %dma_start3A_11 = arith.constant 0 : i32
      %dma_start3A_12 = tpu.memref_slice %arg2[%add3A, %dma_start3A, %dma_start3A_11] : memref<32x80x128xi32, #tpu.memory_space<hbm>> -> memref<1x80x128xi32, #tpu.memory_space<hbm>>
      %dma_start3A_13 = tpu.memref_squeeze %dma_start3A_12 : memref<1x80x128xi32, #tpu.memory_space<hbm>> -> memref<80x128xi32, #tpu.memory_space<hbm>>
      %dma_start3A_14 = arith.constant 0 : i32
      %dma_start3A_15 = arith.constant 0 : i32
      %dma_start3A_16 = tpu.memref_slice %arg2[%add3A, %dma_start3A_14, %dma_start3A_15] : memref<32x80x128xi32, #tpu.memory_space<hbm>> -> memref<1x80x128xi32, #tpu.memory_space<hbm>>
      %dma_start3A_17 = tpu.memref_squeeze %dma_start3A_16 : memref<1x80x128xi32, #tpu.memory_space<hbm>> -> memref<80x128xi32, #tpu.memory_space<hbm>>
      tpu.enqueue_dma source(%dma_start3A_17 : memref<80x128xi32, #tpu.memory_space<hbm>>) target(%arg6 : memref<80x128xi32, #tpu.memory_space<vmem>>) target_semaphore(%run_scoped3A : memref<!tpu.dma_semaphore, #tpu.memory_space<semaphore_mem>>)
      %dma_wait3A = arith.constant 0 : i32
      %dma_wait3A_18 = arith.constant 0 : i32
      %dma_wait3A_19 = tpu.memref_slice %arg2[%add3A, %dma_wait3A, %dma_wait3A_18] : memref<32x80x128xi32, #tpu.memory_space<hbm>> -> memref<1x80x128xi32, #tpu.memory_space<hbm>>
      %dma_wait3A_20 = tpu.memref_squeeze %dma_wait3A_19 : memref<1x80x128xi32, #tpu.memory_space<hbm>> -> memref<80x128xi32, #tpu.memory_space<hbm>>
      %dma_wait3A_21 = arith.constant 0 : i32
      %dma_wait3A_22 = arith.constant 0 : i32
      %dma_wait3A_23 = tpu.memref_slice %arg2[%add3A, %dma_wait3A_21, %dma_wait3A_22] : memref<32x80x128xi32, #tpu.memory_space<hbm>> -> memref<1x80x128xi32, #tpu.memory_space<hbm>>
      %dma_wait3A_24 = tpu.memref_squeeze %dma_wait3A_23 : memref<1x80x128xi32, #tpu.memory_space<hbm>> -> memref<80x128xi32, #tpu.memory_space<hbm>>
      tpu.wait_dma2 semaphore(%run_scoped3A : memref<!tpu.dma_semaphore, #tpu.memory_space<semaphore_mem>>) src(%dma_wait3A_24 : memref<80x128xi32, #tpu.memory_space<hbm>>) dst(%arg6 : memref<80x128xi32, #tpu.memory_space<vmem>>)
      tpu.yield
    }) : () -> ()
    "tpu.region"() ({
      %run_scoped3A = tpu.sem_alloc : memref<!tpu.dma_semaphore, #tpu.memory_space<semaphore_mem>>
      tpu.enqueue_dma source(%arg3 : memref<128x16xf32, #tpu.memory_space<hbm>>) target(%arg7 : memref<128x16xf32, #tpu.memory_space<vmem>>) target_semaphore(%run_scoped3A : memref<!tpu.dma_semaphore, #tpu.memory_space<semaphore_mem>>)
      tpu.wait_dma2 semaphore(%run_scoped3A : memref<!tpu.dma_semaphore, #tpu.memory_space<semaphore_mem>>) src(%arg3 : memref<128x16xf32, #tpu.memory_space<hbm>>) dst(%arg7 : memref<128x16xf32, #tpu.memory_space<vmem>>)
      tpu.yield
    }) : () -> ()
    %mul3A_1 = arith.constant 640 : i32
    %mul3A_2 = arith.muli %arg1, %mul3A_1 : i32
    "tpu.region"() ({
      %run_scoped3A = tpu.sem_alloc : memref<!tpu.dma_semaphore, #tpu.memory_space<semaphore_mem>>
      %dma_start3A = arith.constant 0 : i32
      %dma_start3A_11 = tpu.memref_slice %arg8[%mul3A_2, %dma_start3A] : memref<10240x16xf32, #tpu.memory_space<vmem_shared>> -> memref<640x16xf32, #tpu.memory_space<vmem_shared>>
      tpu.enqueue_dma source(%arg4 : memref<640x16xf32, #tpu.memory_space<hbm>>) target(%dma_start3A_11 : memref<640x16xf32, #tpu.memory_space<vmem_shared>>) target_semaphore(%run_scoped3A : memref<!tpu.dma_semaphore, #tpu.memory_space<semaphore_mem>>)
      %dma_wait3A = arith.constant 0 : i32
      %dma_wait3A_12 = tpu.memref_slice %arg8[%mul3A_2, %dma_wait3A] : memref<10240x16xf32, #tpu.memory_space<vmem_shared>> -> memref<640x16xf32, #tpu.memory_space<vmem_shared>>
      tpu.wait_dma2 semaphore(%run_scoped3A : memref<!tpu.dma_semaphore, #tpu.memory_space<semaphore_mem>>) src(%arg4 : memref<640x16xf32, #tpu.memory_space<hbm>>) dst(%dma_wait3A_12 : memref<640x16xf32, #tpu.memory_space<vmem_shared>>)
      tpu.yield
    }) : () -> ()
    %barrier3A = arith.constant 0 : index
    tpu.barrier barrier_id(%barrier3A)
    %scan3A = arith.constant 0 : i32
    %scan3A_3 = arith.constant 0 : i32
    %scan3A_4 = arith.constant 80 : i32
    %scan3A_5 = arith.addi %scan3A_3, %scan3A_4 : i32
    %scan3A_6 = arith.constant 1 : i32
    scf.for %scan3A_11 = %scan3A_3 to %scan3A_5 step %scan3A_6  : i32 {
      "tpu.region"() ({
        %run_scoped3A = tpu.sem_alloc : memref<!tpu.dma_semaphore, #tpu.memory_space<semaphore_mem>>
        %dma_start3A = arith.constant 0 : i32
        %dma_start3A_12 = tpu.memref_slice %arg6[%scan3A_11, %dma_start3A] : memref<80x128xi32, #tpu.memory_space<vmem>> -> memref<1x128xi32, #tpu.memory_space<vmem>>
        %dma_start3A_13 = tpu.memref_squeeze %dma_start3A_12 : memref<1x128xi32, #tpu.memory_space<vmem>> -> memref<128xi32, #tpu.memory_space<vmem>>
        %dma_start3A_14 = arith.constant 0 : i32
        %dma_start3A_15 = arith.constant 0 : i32
        %dma_start3A_16 = tpu.memref_slice %arg8[%dma_start3A_14, %dma_start3A_15] : memref<10240x16xf32, #tpu.memory_space<vmem_shared>> -> memref<10240x16xf32, #tpu.memory_space<vmem_shared>>
        tpu.enqueue_indirect_dma source(%arg7 : memref<128x16xf32, #tpu.memory_space<vmem>>) target(%dma_start3A_16 : memref<10240x16xf32, #tpu.memory_space<vmem_shared>>) offsets(%dma_start3A_13 : memref<128xi32, #tpu.memory_space<vmem>>) semaphore(%run_scoped3A : memref<!tpu.dma_semaphore, #tpu.memory_space<semaphore_mem>>) {add = true}
        %dma_wait3A = arith.constant 0 : i32
        %dma_wait3A_17 = tpu.memref_slice %arg6[%scan3A_11, %dma_wait3A] : memref<80x128xi32, #tpu.memory_space<vmem>> -> memref<1x128xi32, #tpu.memory_space<vmem>>
        %dma_wait3A_18 = tpu.memref_squeeze %dma_wait3A_17 : memref<1x128xi32, #tpu.memory_space<vmem>> -> memref<128xi32, #tpu.memory_space<vmem>>
        %dma_wait3A_19 = arith.constant 0 : i32
        %dma_wait3A_20 = arith.constant 0 : i32
        %dma_wait3A_21 = tpu.memref_slice %arg8[%dma_wait3A_19, %dma_wait3A_20] : memref<10240x16xf32, #tpu.memory_space<vmem_shared>> -> memref<10240x16xf32, #tpu.memory_space<vmem_shared>>
        tpu.wait_indirect_dma semaphore(%run_scoped3A : memref<!tpu.dma_semaphore, #tpu.memory_space<semaphore_mem>>) src(%arg7 : memref<128x16xf32, #tpu.memory_space<vmem>>) dst(%dma_wait3A_21 : memref<10240x16xf32, #tpu.memory_space<vmem_shared>>)
        tpu.yield
      }) : () -> ()
    }
    %scan3A_7 = arith.constant 80 : i32
    %barrier3A_8 = arith.constant 0 : index
    tpu.barrier barrier_id(%barrier3A_8)
    %mul3A_9 = arith.constant 640 : i32
    %mul3A_10 = arith.muli %arg1, %mul3A_9 : i32
    "tpu.region"() ({
      %run_scoped3A = tpu.sem_alloc : memref<!tpu.dma_semaphore, #tpu.memory_space<semaphore_mem>>
      %dma_start3A = arith.constant 0 : i32
      %dma_start3A_11 = arith.constant 0 : i32
      %dma_start3A_12 = tpu.memref_slice %arg5[%add3A, %dma_start3A, %dma_start3A_11] : memref<32x640x16xf32, #tpu.memory_space<hbm>> -> memref<1x640x16xf32, #tpu.memory_space<hbm>>
      %dma_start3A_13 = tpu.memref_squeeze %dma_start3A_12 : memref<1x640x16xf32, #tpu.memory_space<hbm>> -> memref<640x16xf32, #tpu.memory_space<hbm>>
      %dma_start3A_14 = arith.constant 0 : i32
      %dma_start3A_15 = tpu.memref_slice %arg8[%mul3A_10, %dma_start3A_14] : memref<10240x16xf32, #tpu.memory_space<vmem_shared>> -> memref<640x16xf32, #tpu.memory_space<vmem_shared>>
      tpu.enqueue_dma source(%dma_start3A_15 : memref<640x16xf32, #tpu.memory_space<vmem_shared>>) target(%dma_start3A_13 : memref<640x16xf32, #tpu.memory_space<hbm>>) target_semaphore(%run_scoped3A : memref<!tpu.dma_semaphore, #tpu.memory_space<semaphore_mem>>)
      %dma_wait3A = arith.constant 0 : i32
      %dma_wait3A_16 = arith.constant 0 : i32
      %dma_wait3A_17 = tpu.memref_slice %arg5[%add3A, %dma_wait3A, %dma_wait3A_16] : memref<32x640x16xf32, #tpu.memory_space<hbm>> -> memref<1x640x16xf32, #tpu.memory_space<hbm>>
      %dma_wait3A_18 = tpu.memref_squeeze %dma_wait3A_17 : memref<1x640x16xf32, #tpu.memory_space<hbm>> -> memref<640x16xf32, #tpu.memory_space<hbm>>
      %dma_wait3A_19 = arith.constant 0 : i32
      %dma_wait3A_20 = tpu.memref_slice %arg8[%mul3A_10, %dma_wait3A_19] : memref<10240x16xf32, #tpu.memory_space<vmem_shared>> -> memref<640x16xf32, #tpu.memory_space<vmem_shared>>
      tpu.wait_dma2 semaphore(%run_scoped3A : memref<!tpu.dma_semaphore, #tpu.memory_space<semaphore_mem>>) src(%dma_wait3A_20 : memref<640x16xf32, #tpu.memory_space<vmem_shared>>) dst(%dma_wait3A_18 : memref<640x16xf32, #tpu.memory_space<hbm>>)
      tpu.yield
    }) : () -> ()
    return
  }
}

#map = affine_map<(d0, d1) -> (0, 0)>
#map1 = affine_map<(d0, d1) -> (0, 0, 0)>
module attributes {stable_mosaic.version = 14 : i64} {
  func.func @_sc_agg(%arg0: i32, %arg1: i32, %arg2: memref<10240x64xf32, #tpu.memory_space<hbm>>, %arg3: memref<32x80x128xi32, #tpu.memory_space<hbm>>, %arg4: memref<32x80x128xi32, #tpu.memory_space<hbm>>, %arg5: memref<640x64xf32, #tpu.memory_space<hbm>>, %arg6: memref<32x640x64xf32, #tpu.memory_space<hbm>>, %arg7: memref<80x128xi32, #tpu.memory_space<vmem>>, %arg8: memref<80x128xi32, #tpu.memory_space<vmem>>, %arg9: memref<128x64xf32, #tpu.memory_space<vmem>>, %arg10: memref<128x64xf32, #tpu.memory_space<vmem>>, %arg11: memref<10240x64xf32, #tpu.memory_space<vmem_shared>>, %arg12: memref<10240x64xf32, #tpu.memory_space<vmem_shared>>, %arg13: memref<!tpu.dma_semaphore, #tpu.memory_space<semaphore_mem>>, %arg14: memref<!tpu.dma_semaphore, #tpu.memory_space<semaphore_mem>>) attributes {dimension_semantics = [#tpu.dimension_semantics<core_parallel>, #tpu.dimension_semantics<subcore_parallel>], iteration_bounds = array<i64: 2, 16>, scalar_prefetch = 0 : i64, scratch_operands = 8 : i64, tpu.core_type = #tpu.core_type<sc_vector_subcore>, window_params = [{transform_indices = #map}, {transform_indices = #map1}, {transform_indices = #map1}, {transform_indices = #map}, {transform_indices = #map1}]} {
    %mul3A = arith.constant 16 : i32
    %mul3A_0 = arith.muli %arg0, %mul3A : i32
    %add3A = arith.addi %mul3A_0, %arg1 : i32
    %mul3A_1 = arith.constant 640 : i32
    %mul3A_2 = arith.muli %arg1, %mul3A_1 : i32
    "tpu.region"() ({
      %run_scoped3A = tpu.sem_alloc : memref<!tpu.dma_semaphore, #tpu.memory_space<semaphore_mem>>
      %dma_start3A_17 = arith.constant 0 : i32
      %dma_start3A_18 = arith.constant 0 : i32
      %dma_start3A_19 = tpu.memref_slice %arg3[%add3A, %dma_start3A_17, %dma_start3A_18] : memref<32x80x128xi32, #tpu.memory_space<hbm>> -> memref<1x80x128xi32, #tpu.memory_space<hbm>>
      %dma_start3A_20 = tpu.memref_squeeze %dma_start3A_19 : memref<1x80x128xi32, #tpu.memory_space<hbm>> -> memref<80x128xi32, #tpu.memory_space<hbm>>
      %dma_start3A_21 = arith.constant 0 : i32
      %dma_start3A_22 = arith.constant 0 : i32
      %dma_start3A_23 = tpu.memref_slice %arg3[%add3A, %dma_start3A_21, %dma_start3A_22] : memref<32x80x128xi32, #tpu.memory_space<hbm>> -> memref<1x80x128xi32, #tpu.memory_space<hbm>>
      %dma_start3A_24 = tpu.memref_squeeze %dma_start3A_23 : memref<1x80x128xi32, #tpu.memory_space<hbm>> -> memref<80x128xi32, #tpu.memory_space<hbm>>
      tpu.enqueue_dma source(%dma_start3A_24 : memref<80x128xi32, #tpu.memory_space<hbm>>) target(%arg7 : memref<80x128xi32, #tpu.memory_space<vmem>>) target_semaphore(%run_scoped3A : memref<!tpu.dma_semaphore, #tpu.memory_space<semaphore_mem>>)
      %dma_wait3A = arith.constant 0 : i32
      %dma_wait3A_25 = arith.constant 0 : i32
      %dma_wait3A_26 = tpu.memref_slice %arg3[%add3A, %dma_wait3A, %dma_wait3A_25] : memref<32x80x128xi32, #tpu.memory_space<hbm>> -> memref<1x80x128xi32, #tpu.memory_space<hbm>>
      %dma_wait3A_27 = tpu.memref_squeeze %dma_wait3A_26 : memref<1x80x128xi32, #tpu.memory_space<hbm>> -> memref<80x128xi32, #tpu.memory_space<hbm>>
      %dma_wait3A_28 = arith.constant 0 : i32
      %dma_wait3A_29 = arith.constant 0 : i32
      %dma_wait3A_30 = tpu.memref_slice %arg3[%add3A, %dma_wait3A_28, %dma_wait3A_29] : memref<32x80x128xi32, #tpu.memory_space<hbm>> -> memref<1x80x128xi32, #tpu.memory_space<hbm>>
      %dma_wait3A_31 = tpu.memref_squeeze %dma_wait3A_30 : memref<1x80x128xi32, #tpu.memory_space<hbm>> -> memref<80x128xi32, #tpu.memory_space<hbm>>
      tpu.wait_dma2 semaphore(%run_scoped3A : memref<!tpu.dma_semaphore, #tpu.memory_space<semaphore_mem>>) src(%dma_wait3A_31 : memref<80x128xi32, #tpu.memory_space<hbm>>) dst(%arg7 : memref<80x128xi32, #tpu.memory_space<vmem>>)
      tpu.yield
    }) : () -> ()
    "tpu.region"() ({
      %run_scoped3A = tpu.sem_alloc : memref<!tpu.dma_semaphore, #tpu.memory_space<semaphore_mem>>
      %dma_start3A_17 = arith.constant 0 : i32
      %dma_start3A_18 = arith.constant 0 : i32
      %dma_start3A_19 = tpu.memref_slice %arg4[%add3A, %dma_start3A_17, %dma_start3A_18] : memref<32x80x128xi32, #tpu.memory_space<hbm>> -> memref<1x80x128xi32, #tpu.memory_space<hbm>>
      %dma_start3A_20 = tpu.memref_squeeze %dma_start3A_19 : memref<1x80x128xi32, #tpu.memory_space<hbm>> -> memref<80x128xi32, #tpu.memory_space<hbm>>
      %dma_start3A_21 = arith.constant 0 : i32
      %dma_start3A_22 = arith.constant 0 : i32
      %dma_start3A_23 = tpu.memref_slice %arg4[%add3A, %dma_start3A_21, %dma_start3A_22] : memref<32x80x128xi32, #tpu.memory_space<hbm>> -> memref<1x80x128xi32, #tpu.memory_space<hbm>>
      %dma_start3A_24 = tpu.memref_squeeze %dma_start3A_23 : memref<1x80x128xi32, #tpu.memory_space<hbm>> -> memref<80x128xi32, #tpu.memory_space<hbm>>
      tpu.enqueue_dma source(%dma_start3A_24 : memref<80x128xi32, #tpu.memory_space<hbm>>) target(%arg8 : memref<80x128xi32, #tpu.memory_space<vmem>>) target_semaphore(%run_scoped3A : memref<!tpu.dma_semaphore, #tpu.memory_space<semaphore_mem>>)
      %dma_wait3A = arith.constant 0 : i32
      %dma_wait3A_25 = arith.constant 0 : i32
      %dma_wait3A_26 = tpu.memref_slice %arg4[%add3A, %dma_wait3A, %dma_wait3A_25] : memref<32x80x128xi32, #tpu.memory_space<hbm>> -> memref<1x80x128xi32, #tpu.memory_space<hbm>>
      %dma_wait3A_27 = tpu.memref_squeeze %dma_wait3A_26 : memref<1x80x128xi32, #tpu.memory_space<hbm>> -> memref<80x128xi32, #tpu.memory_space<hbm>>
      %dma_wait3A_28 = arith.constant 0 : i32
      %dma_wait3A_29 = arith.constant 0 : i32
      %dma_wait3A_30 = tpu.memref_slice %arg4[%add3A, %dma_wait3A_28, %dma_wait3A_29] : memref<32x80x128xi32, #tpu.memory_space<hbm>> -> memref<1x80x128xi32, #tpu.memory_space<hbm>>
      %dma_wait3A_31 = tpu.memref_squeeze %dma_wait3A_30 : memref<1x80x128xi32, #tpu.memory_space<hbm>> -> memref<80x128xi32, #tpu.memory_space<hbm>>
      tpu.wait_dma2 semaphore(%run_scoped3A : memref<!tpu.dma_semaphore, #tpu.memory_space<semaphore_mem>>) src(%dma_wait3A_31 : memref<80x128xi32, #tpu.memory_space<hbm>>) dst(%arg8 : memref<80x128xi32, #tpu.memory_space<vmem>>)
      tpu.yield
    }) : () -> ()
    "tpu.region"() ({
      %run_scoped3A = tpu.sem_alloc : memref<!tpu.dma_semaphore, #tpu.memory_space<semaphore_mem>>
      %dma_start3A_17 = arith.constant 0 : i32
      %dma_start3A_18 = tpu.memref_slice %arg12[%mul3A_2, %dma_start3A_17] : memref<10240x64xf32, #tpu.memory_space<vmem_shared>> -> memref<640x64xf32, #tpu.memory_space<vmem_shared>>
      %dma_start3A_19 = arith.constant 0 : i32
      %dma_start3A_20 = tpu.memref_slice %arg2[%mul3A_2, %dma_start3A_19] : memref<10240x64xf32, #tpu.memory_space<hbm>> -> memref<640x64xf32, #tpu.memory_space<hbm>>
      tpu.enqueue_dma source(%dma_start3A_20 : memref<640x64xf32, #tpu.memory_space<hbm>>) target(%dma_start3A_18 : memref<640x64xf32, #tpu.memory_space<vmem_shared>>) target_semaphore(%run_scoped3A : memref<!tpu.dma_semaphore, #tpu.memory_space<semaphore_mem>>)
      %dma_wait3A = arith.constant 0 : i32
      %dma_wait3A_21 = tpu.memref_slice %arg12[%mul3A_2, %dma_wait3A] : memref<10240x64xf32, #tpu.memory_space<vmem_shared>> -> memref<640x64xf32, #tpu.memory_space<vmem_shared>>
      %dma_wait3A_22 = arith.constant 0 : i32
      %dma_wait3A_23 = tpu.memref_slice %arg2[%mul3A_2, %dma_wait3A_22] : memref<10240x64xf32, #tpu.memory_space<hbm>> -> memref<640x64xf32, #tpu.memory_space<hbm>>
      tpu.wait_dma2 semaphore(%run_scoped3A : memref<!tpu.dma_semaphore, #tpu.memory_space<semaphore_mem>>) src(%dma_wait3A_23 : memref<640x64xf32, #tpu.memory_space<hbm>>) dst(%dma_wait3A_21 : memref<640x64xf32, #tpu.memory_space<vmem_shared>>)
      tpu.yield
    }) : () -> ()
    "tpu.region"() ({
      %run_scoped3A = tpu.sem_alloc : memref<!tpu.dma_semaphore, #tpu.memory_space<semaphore_mem>>
      %dma_start3A_17 = arith.constant 0 : i32
      %dma_start3A_18 = tpu.memref_slice %arg11[%mul3A_2, %dma_start3A_17] : memref<10240x64xf32, #tpu.memory_space<vmem_shared>> -> memref<640x64xf32, #tpu.memory_space<vmem_shared>>
      tpu.enqueue_dma source(%arg5 : memref<640x64xf32, #tpu.memory_space<hbm>>) target(%dma_start3A_18 : memref<640x64xf32, #tpu.memory_space<vmem_shared>>) target_semaphore(%run_scoped3A : memref<!tpu.dma_semaphore, #tpu.memory_space<semaphore_mem>>)
      %dma_wait3A = arith.constant 0 : i32
      %dma_wait3A_19 = tpu.memref_slice %arg11[%mul3A_2, %dma_wait3A] : memref<10240x64xf32, #tpu.memory_space<vmem_shared>> -> memref<640x64xf32, #tpu.memory_space<vmem_shared>>
      tpu.wait_dma2 semaphore(%run_scoped3A : memref<!tpu.dma_semaphore, #tpu.memory_space<semaphore_mem>>) src(%arg5 : memref<640x64xf32, #tpu.memory_space<hbm>>) dst(%dma_wait3A_19 : memref<640x64xf32, #tpu.memory_space<vmem_shared>>)
      tpu.yield
    }) : () -> ()
    %barrier3A = arith.constant 0 : index
    tpu.barrier barrier_id(%barrier3A)
    %dma_start3A = arith.constant 0 : i32
    %dma_start3A_3 = arith.constant 0 : i32
    %dma_start3A_4 = tpu.memref_slice %arg7[%dma_start3A, %dma_start3A_3] : memref<80x128xi32, #tpu.memory_space<vmem>> -> memref<1x128xi32, #tpu.memory_space<vmem>>
    %dma_start3A_5 = tpu.memref_squeeze %dma_start3A_4 : memref<1x128xi32, #tpu.memory_space<vmem>> -> memref<128xi32, #tpu.memory_space<vmem>>
    %dma_start3A_6 = arith.constant 0 : i32
    %dma_start3A_7 = arith.constant 0 : i32
    %dma_start3A_8 = tpu.memref_slice %arg12[%dma_start3A_6, %dma_start3A_7] : memref<10240x64xf32, #tpu.memory_space<vmem_shared>> -> memref<10240x64xf32, #tpu.memory_space<vmem_shared>>
    tpu.enqueue_indirect_dma source(%dma_start3A_8 : memref<10240x64xf32, #tpu.memory_space<vmem_shared>>) target(%arg9 : memref<128x64xf32, #tpu.memory_space<vmem>>) offsets(%dma_start3A_5 : memref<128xi32, #tpu.memory_space<vmem>>) semaphore(%arg13 : memref<!tpu.dma_semaphore, #tpu.memory_space<semaphore_mem>>)
    %scan3A = arith.constant 0 : i32
    %scan3A_9 = arith.constant 0 : i32
    %scan3A_10 = arith.constant 40 : i32
    %scan3A_11 = arith.addi %scan3A_9, %scan3A_10 : i32
    %scan3A_12 = arith.constant 1 : i32
    scf.for %scan3A_17 = %scan3A_9 to %scan3A_11 step %scan3A_12  : i32 {
      %mul3A_18 = arith.constant 2 : i32
      %mul3A_19 = arith.muli %mul3A_18, %scan3A_17 : i32
      %add3A_20 = arith.constant 1 : i32
      %add3A_21 = arith.addi %mul3A_19, %add3A_20 : i32
      %dma_start3A_22 = arith.constant 0 : i32
      %dma_start3A_23 = tpu.memref_slice %arg7[%add3A_21, %dma_start3A_22] : memref<80x128xi32, #tpu.memory_space<vmem>> -> memref<1x128xi32, #tpu.memory_space<vmem>>
      %dma_start3A_24 = tpu.memref_squeeze %dma_start3A_23 : memref<1x128xi32, #tpu.memory_space<vmem>> -> memref<128xi32, #tpu.memory_space<vmem>>
      %dma_start3A_25 = arith.constant 0 : i32
      %dma_start3A_26 = arith.constant 0 : i32
      %dma_start3A_27 = tpu.memref_slice %arg12[%dma_start3A_25, %dma_start3A_26] : memref<10240x64xf32, #tpu.memory_space<vmem_shared>> -> memref<10240x64xf32, #tpu.memory_space<vmem_shared>>
      tpu.enqueue_indirect_dma source(%dma_start3A_27 : memref<10240x64xf32, #tpu.memory_space<vmem_shared>>) target(%arg10 : memref<128x64xf32, #tpu.memory_space<vmem>>) offsets(%dma_start3A_24 : memref<128xi32, #tpu.memory_space<vmem>>) semaphore(%arg14 : memref<!tpu.dma_semaphore, #tpu.memory_space<semaphore_mem>>)
      %dma_wait3A = arith.constant 0 : i32
      %dma_wait3A_28 = tpu.memref_slice %arg7[%mul3A_19, %dma_wait3A] : memref<80x128xi32, #tpu.memory_space<vmem>> -> memref<1x128xi32, #tpu.memory_space<vmem>>
      %dma_wait3A_29 = tpu.memref_squeeze %dma_wait3A_28 : memref<1x128xi32, #tpu.memory_space<vmem>> -> memref<128xi32, #tpu.memory_space<vmem>>
      %dma_wait3A_30 = arith.constant 0 : i32
      %dma_wait3A_31 = arith.constant 0 : i32
      %dma_wait3A_32 = tpu.memref_slice %arg12[%dma_wait3A_30, %dma_wait3A_31] : memref<10240x64xf32, #tpu.memory_space<vmem_shared>> -> memref<10240x64xf32, #tpu.memory_space<vmem_shared>>
      tpu.wait_indirect_dma semaphore(%arg13 : memref<!tpu.dma_semaphore, #tpu.memory_space<semaphore_mem>>) src(%dma_wait3A_32 : memref<10240x64xf32, #tpu.memory_space<vmem_shared>>) dst(%arg9 : memref<128x64xf32, #tpu.memory_space<vmem>>)
      "tpu.region"() ({
        %run_scoped3A = tpu.sem_alloc : memref<!tpu.dma_semaphore, #tpu.memory_space<semaphore_mem>>
        %dma_start3A_47 = arith.constant 0 : i32
        %dma_start3A_48 = tpu.memref_slice %arg8[%mul3A_19, %dma_start3A_47] : memref<80x128xi32, #tpu.memory_space<vmem>> -> memref<1x128xi32, #tpu.memory_space<vmem>>
        %dma_start3A_49 = tpu.memref_squeeze %dma_start3A_48 : memref<1x128xi32, #tpu.memory_space<vmem>> -> memref<128xi32, #tpu.memory_space<vmem>>
        %dma_start3A_50 = arith.constant 0 : i32
        %dma_start3A_51 = arith.constant 0 : i32
        %dma_start3A_52 = tpu.memref_slice %arg11[%dma_start3A_50, %dma_start3A_51] : memref<10240x64xf32, #tpu.memory_space<vmem_shared>> -> memref<10240x64xf32, #tpu.memory_space<vmem_shared>>
        tpu.enqueue_indirect_dma source(%arg9 : memref<128x64xf32, #tpu.memory_space<vmem>>) target(%dma_start3A_52 : memref<10240x64xf32, #tpu.memory_space<vmem_shared>>) offsets(%dma_start3A_49 : memref<128xi32, #tpu.memory_space<vmem>>) semaphore(%run_scoped3A : memref<!tpu.dma_semaphore, #tpu.memory_space<semaphore_mem>>) {add = true}
        %dma_wait3A_53 = arith.constant 0 : i32
        %dma_wait3A_54 = tpu.memref_slice %arg8[%mul3A_19, %dma_wait3A_53] : memref<80x128xi32, #tpu.memory_space<vmem>> -> memref<1x128xi32, #tpu.memory_space<vmem>>
        %dma_wait3A_55 = tpu.memref_squeeze %dma_wait3A_54 : memref<1x128xi32, #tpu.memory_space<vmem>> -> memref<128xi32, #tpu.memory_space<vmem>>
        %dma_wait3A_56 = arith.constant 0 : i32
        %dma_wait3A_57 = arith.constant 0 : i32
        %dma_wait3A_58 = tpu.memref_slice %arg11[%dma_wait3A_56, %dma_wait3A_57] : memref<10240x64xf32, #tpu.memory_space<vmem_shared>> -> memref<10240x64xf32, #tpu.memory_space<vmem_shared>>
        tpu.wait_indirect_dma semaphore(%run_scoped3A : memref<!tpu.dma_semaphore, #tpu.memory_space<semaphore_mem>>) src(%arg9 : memref<128x64xf32, #tpu.memory_space<vmem>>) dst(%dma_wait3A_58 : memref<10240x64xf32, #tpu.memory_space<vmem_shared>>)
        tpu.yield
      }) : () -> ()
      %add3A_33 = arith.constant 2 : i32
      %add3A_34 = arith.addi %mul3A_19, %add3A_33 : i32
      %lt3A = arith.constant 80 : i32
      %lt3A_35 = arith.cmpi slt, %add3A_34, %lt3A : i32
      %convert_element_type3A = arith.extui %lt3A_35 : i1 to i32
      %cond3A = arith.constant 0 : i32
      %cond3A_36 = arith.cmpi ne, %convert_element_type3A, %cond3A : i32
      scf.if %cond3A_36 {
        %add3A_47 = arith.constant 2 : i32
        %add3A_48 = arith.addi %mul3A_19, %add3A_47 : i32
        %dma_start3A_49 = arith.constant 0 : i32
        %dma_start3A_50 = tpu.memref_slice %arg7[%add3A_48, %dma_start3A_49] : memref<80x128xi32, #tpu.memory_space<vmem>> -> memref<1x128xi32, #tpu.memory_space<vmem>>
        %dma_start3A_51 = tpu.memref_squeeze %dma_start3A_50 : memref<1x128xi32, #tpu.memory_space<vmem>> -> memref<128xi32, #tpu.memory_space<vmem>>
        %dma_start3A_52 = arith.constant 0 : i32
        %dma_start3A_53 = arith.constant 0 : i32
        %dma_start3A_54 = tpu.memref_slice %arg12[%dma_start3A_52, %dma_start3A_53] : memref<10240x64xf32, #tpu.memory_space<vmem_shared>> -> memref<10240x64xf32, #tpu.memory_space<vmem_shared>>
        tpu.enqueue_indirect_dma source(%dma_start3A_54 : memref<10240x64xf32, #tpu.memory_space<vmem_shared>>) target(%arg9 : memref<128x64xf32, #tpu.memory_space<vmem>>) offsets(%dma_start3A_51 : memref<128xi32, #tpu.memory_space<vmem>>) semaphore(%arg13 : memref<!tpu.dma_semaphore, #tpu.memory_space<semaphore_mem>>)
      } else {
      }
      %add3A_37 = arith.constant 1 : i32
      %add3A_38 = arith.addi %mul3A_19, %add3A_37 : i32
      %dma_wait3A_39 = arith.constant 0 : i32
      %dma_wait3A_40 = tpu.memref_slice %arg7[%add3A_38, %dma_wait3A_39] : memref<80x128xi32, #tpu.memory_space<vmem>> -> memref<1x128xi32, #tpu.memory_space<vmem>>
      %dma_wait3A_41 = tpu.memref_squeeze %dma_wait3A_40 : memref<1x128xi32, #tpu.memory_space<vmem>> -> memref<128xi32, #tpu.memory_space<vmem>>
      %dma_wait3A_42 = arith.constant 0 : i32
      %dma_wait3A_43 = arith.constant 0 : i32
      %dma_wait3A_44 = tpu.memref_slice %arg12[%dma_wait3A_42, %dma_wait3A_43] : memref<10240x64xf32, #tpu.memory_space<vmem_shared>> -> memref<10240x64xf32, #tpu.memory_space<vmem_shared>>
      tpu.wait_indirect_dma semaphore(%arg14 : memref<!tpu.dma_semaphore, #tpu.memory_space<semaphore_mem>>) src(%dma_wait3A_44 : memref<10240x64xf32, #tpu.memory_space<vmem_shared>>) dst(%arg10 : memref<128x64xf32, #tpu.memory_space<vmem>>)
      %add3A_45 = arith.constant 1 : i32
      %add3A_46 = arith.addi %mul3A_19, %add3A_45 : i32
      "tpu.region"() ({
        %run_scoped3A = tpu.sem_alloc : memref<!tpu.dma_semaphore, #tpu.memory_space<semaphore_mem>>
        %dma_start3A_47 = arith.constant 0 : i32
        %dma_start3A_48 = tpu.memref_slice %arg8[%add3A_46, %dma_start3A_47] : memref<80x128xi32, #tpu.memory_space<vmem>> -> memref<1x128xi32, #tpu.memory_space<vmem>>
        %dma_start3A_49 = tpu.memref_squeeze %dma_start3A_48 : memref<1x128xi32, #tpu.memory_space<vmem>> -> memref<128xi32, #tpu.memory_space<vmem>>
        %dma_start3A_50 = arith.constant 0 : i32
        %dma_start3A_51 = arith.constant 0 : i32
        %dma_start3A_52 = tpu.memref_slice %arg11[%dma_start3A_50, %dma_start3A_51] : memref<10240x64xf32, #tpu.memory_space<vmem_shared>> -> memref<10240x64xf32, #tpu.memory_space<vmem_shared>>
        tpu.enqueue_indirect_dma source(%arg10 : memref<128x64xf32, #tpu.memory_space<vmem>>) target(%dma_start3A_52 : memref<10240x64xf32, #tpu.memory_space<vmem_shared>>) offsets(%dma_start3A_49 : memref<128xi32, #tpu.memory_space<vmem>>) semaphore(%run_scoped3A : memref<!tpu.dma_semaphore, #tpu.memory_space<semaphore_mem>>) {add = true}
        %dma_wait3A_53 = arith.constant 0 : i32
        %dma_wait3A_54 = tpu.memref_slice %arg8[%add3A_46, %dma_wait3A_53] : memref<80x128xi32, #tpu.memory_space<vmem>> -> memref<1x128xi32, #tpu.memory_space<vmem>>
        %dma_wait3A_55 = tpu.memref_squeeze %dma_wait3A_54 : memref<1x128xi32, #tpu.memory_space<vmem>> -> memref<128xi32, #tpu.memory_space<vmem>>
        %dma_wait3A_56 = arith.constant 0 : i32
        %dma_wait3A_57 = arith.constant 0 : i32
        %dma_wait3A_58 = tpu.memref_slice %arg11[%dma_wait3A_56, %dma_wait3A_57] : memref<10240x64xf32, #tpu.memory_space<vmem_shared>> -> memref<10240x64xf32, #tpu.memory_space<vmem_shared>>
        tpu.wait_indirect_dma semaphore(%run_scoped3A : memref<!tpu.dma_semaphore, #tpu.memory_space<semaphore_mem>>) src(%arg10 : memref<128x64xf32, #tpu.memory_space<vmem>>) dst(%dma_wait3A_58 : memref<10240x64xf32, #tpu.memory_space<vmem_shared>>)
        tpu.yield
      }) : () -> ()
    }
    %scan3A_13 = arith.constant 40 : i32
    %barrier3A_14 = arith.constant 0 : index
    tpu.barrier barrier_id(%barrier3A_14)
    %mul3A_15 = arith.constant 640 : i32
    %mul3A_16 = arith.muli %arg1, %mul3A_15 : i32
    "tpu.region"() ({
      %run_scoped3A = tpu.sem_alloc : memref<!tpu.dma_semaphore, #tpu.memory_space<semaphore_mem>>
      %dma_start3A_17 = arith.constant 0 : i32
      %dma_start3A_18 = arith.constant 0 : i32
      %dma_start3A_19 = tpu.memref_slice %arg6[%add3A, %dma_start3A_17, %dma_start3A_18] : memref<32x640x64xf32, #tpu.memory_space<hbm>> -> memref<1x640x64xf32, #tpu.memory_space<hbm>>
      %dma_start3A_20 = tpu.memref_squeeze %dma_start3A_19 : memref<1x640x64xf32, #tpu.memory_space<hbm>> -> memref<640x64xf32, #tpu.memory_space<hbm>>
      %dma_start3A_21 = arith.constant 0 : i32
      %dma_start3A_22 = tpu.memref_slice %arg11[%mul3A_16, %dma_start3A_21] : memref<10240x64xf32, #tpu.memory_space<vmem_shared>> -> memref<640x64xf32, #tpu.memory_space<vmem_shared>>
      tpu.enqueue_dma source(%dma_start3A_22 : memref<640x64xf32, #tpu.memory_space<vmem_shared>>) target(%dma_start3A_20 : memref<640x64xf32, #tpu.memory_space<hbm>>) target_semaphore(%run_scoped3A : memref<!tpu.dma_semaphore, #tpu.memory_space<semaphore_mem>>)
      %dma_wait3A = arith.constant 0 : i32
      %dma_wait3A_23 = arith.constant 0 : i32
      %dma_wait3A_24 = tpu.memref_slice %arg6[%add3A, %dma_wait3A, %dma_wait3A_23] : memref<32x640x64xf32, #tpu.memory_space<hbm>> -> memref<1x640x64xf32, #tpu.memory_space<hbm>>
      %dma_wait3A_25 = tpu.memref_squeeze %dma_wait3A_24 : memref<1x640x64xf32, #tpu.memory_space<hbm>> -> memref<640x64xf32, #tpu.memory_space<hbm>>
      %dma_wait3A_26 = arith.constant 0 : i32
      %dma_wait3A_27 = tpu.memref_slice %arg11[%mul3A_16, %dma_wait3A_26] : memref<10240x64xf32, #tpu.memory_space<vmem_shared>> -> memref<640x64xf32, #tpu.memory_space<vmem_shared>>
      tpu.wait_dma2 semaphore(%run_scoped3A : memref<!tpu.dma_semaphore, #tpu.memory_space<semaphore_mem>>) src(%dma_wait3A_27 : memref<640x64xf32, #tpu.memory_space<vmem_shared>>) dst(%dma_wait3A_25 : memref<640x64xf32, #tpu.memory_space<hbm>>)
      tpu.yield
    }) : () -> ()
    return
  }
}

module attributes {stable_mosaic.version = 14 : i64} {
  func.func @_tc_pre_body(%arg0: memref<10240x128xf32, #tpu.memory_space<vmem>>, %arg1: memref<128x64xf32, #tpu.memory_space<vmem>>, %arg2: memref<2x10240x16xf32, #tpu.memory_space<vmem>>, %arg3: memref<10240x64xf32, #tpu.memory_space<vmem>>, %arg4: memref<10240x1xf32, #tpu.memory_space<vmem>>) attributes {dimension_semantics = [], scalar_prefetch = 0 : i64, scratch_operands = 0 : i64, tpu.core_type = #tpu.core_type<tc>} {
    %get3A = arith.constant 0 : index
    %get3A_0 = arith.constant 0 : index
    %get3A_1 = arith.constant 0 : index
    %get3A_2 = vector.load %arg2[%get3A, %get3A_0, %get3A_1] : memref<2x10240x16xf32, #tpu.memory_space<vmem>>, vector<1x10240x1xf32>
    %get3A_3 = vector.shape_cast %get3A_2 : vector<1x10240x1xf32> to vector<10240x1xf32>
    %add3A = arith.constant 1.000000e+00 : f32
    %add3A_4 = vector.broadcast %add3A : f32 to vector<10240x1xf32>
    %add3A_5 = arith.addf %add3A_4, %get3A_3 : vector<10240x1xf32>
    %get3A_6 = arith.constant 1 : index
    %get3A_7 = arith.constant 0 : index
    %get3A_8 = arith.constant 0 : index
    %get3A_9 = vector.load %arg2[%get3A_6, %get3A_7, %get3A_8] : memref<2x10240x16xf32, #tpu.memory_space<vmem>>, vector<1x10240x1xf32>
    %get3A_10 = vector.shape_cast %get3A_9 : vector<1x10240x1xf32> to vector<10240x1xf32>
    %add3A_11 = arith.addf %add3A_5, %get3A_10 : vector<10240x1xf32>
    %rsqrt3A = math.rsqrt %add3A_11 : vector<10240x1xf32>
    %get3A_12 = arith.constant 0 : index
    %get3A_13 = arith.constant 0 : index
    %get3A_14 = vector.load %arg0[%get3A_12, %get3A_13] : memref<10240x128xf32, #tpu.memory_space<vmem>>, vector<10240x128xf32>
    %get3A_15 = arith.constant 0 : index
    %get3A_16 = arith.constant 0 : index
    %get3A_17 = vector.load %arg1[%get3A_15, %get3A_16] : memref<128x64xf32, #tpu.memory_space<vmem>>, vector<128x64xf32>
    %dot_general3A = arith.constant dense<0.000000e+00> : vector<10240x64xf32>
    %dot_general3A_18 = tpu.matmul %get3A_14, %get3A_17, %dot_general3A {dimension_numbers = #tpu.dot_dimension_numbers<[1], [0], [0], [1], [0, 0, 1, 1], [], []>, transpose_lhs_hint = false} : vector<10240x128xf32>, vector<128x64xf32>, vector<10240x64xf32> -> vector<10240x64xf32>
    %mul3A = vector.broadcast %rsqrt3A : vector<10240x1xf32> to vector<10240x64xf32>
    %mul3A_19 = arith.mulf %dot_general3A_18, %mul3A : vector<10240x64xf32>
    %swap3A = arith.constant 0 : index
    %swap3A_20 = arith.constant 0 : index
    %swap3A_21 = vector.load %arg3[%swap3A, %swap3A_20] : memref<10240x64xf32, #tpu.memory_space<vmem>>, vector<10240x64xf32>
    tpu.vector_store %arg3[%swap3A, %swap3A_20], %mul3A_19 {strides = array<i32>} : memref<10240x64xf32, #tpu.memory_space<vmem>>, vector<10240x64xf32>,
    %swap3A_22 = arith.constant 0 : index
    %swap3A_23 = arith.constant 0 : index
    %swap3A_24 = vector.load %arg4[%swap3A_22, %swap3A_23] : memref<10240x1xf32, #tpu.memory_space<vmem>>, vector<10240x1xf32>
    tpu.vector_store %arg4[%swap3A_22, %swap3A_23], %rsqrt3A {strides = array<i32>} : memref<10240x1xf32, #tpu.memory_space<vmem>>, vector<10240x1xf32>,
    return
  }
}

module attributes {stable_mosaic.version = 14 : i64} {
  func.func @_tc_main_body(%arg0: memref<2x10240x64xf32, #tpu.memory_space<vmem>>, %arg1: memref<10240x64xf32, #tpu.memory_space<vmem>>, %arg2: memref<10240x1xf32, #tpu.memory_space<vmem>>, %arg3: memref<157x2048xi32, #tpu.memory_space<vmem>>, %arg4: memref<157x2048xi32, #tpu.memory_space<vmem>>, %arg5: memref<1x64xf32, #tpu.memory_space<vmem>>, %arg6: memref<1x64xf32, #tpu.memory_space<vmem>>, %arg7: memref<64x64xf32, #tpu.memory_space<vmem>>, %arg8: memref<1x64xf32, #tpu.memory_space<vmem>>, %arg9: memref<1x64xf32, #tpu.memory_space<vmem>>, %arg10: memref<64x64xf32, #tpu.memory_space<vmem>>, %arg11: memref<1x64xf32, #tpu.memory_space<vmem>>, %arg12: memref<192x2xf32, #tpu.memory_space<vmem>>, %arg13: memref<1x2xf32, #tpu.memory_space<vmem>>, %arg14: memref<1x2xf32, #tpu.memory_space<vmem>>, %arg15: memref<100x1xf32, #tpu.memory_space<vmem>>, %arg16: memref<100x1xi32, #tpu.memory_space<vmem>>, %arg17: memref<25x1xf32, #tpu.memory_space<vmem>>, %arg18: memref<25x1xi32, #tpu.memory_space<vmem>>) attributes {dimension_semantics = [], scalar_prefetch = 0 : i64, scratch_operands = 4 : i64, tpu.core_type = #tpu.core_type<tc>} {
    %get3A = arith.constant 0 : index
    %get3A_0 = arith.constant 0 : index
    %get3A_1 = arith.constant 0 : index
    %get3A_2 = vector.load %arg0[%get3A, %get3A_0, %get3A_1] : memref<2x10240x64xf32, #tpu.memory_space<vmem>>, vector<1x10240x64xf32>
    %get3A_3 = vector.shape_cast %get3A_2 : vector<1x10240x64xf32> to vector<10240x64xf32>
    %get3A_4 = arith.constant 1 : index
    %get3A_5 = arith.constant 0 : index
    %get3A_6 = arith.constant 0 : index
    %get3A_7 = vector.load %arg0[%get3A_4, %get3A_5, %get3A_6] : memref<2x10240x64xf32, #tpu.memory_space<vmem>>, vector<1x10240x64xf32>
    %get3A_8 = vector.shape_cast %get3A_7 : vector<1x10240x64xf32> to vector<10240x64xf32>
    %add3A = arith.addf %get3A_3, %get3A_8 : vector<10240x64xf32>
    %get3A_9 = arith.constant 0 : index
    %get3A_10 = arith.constant 0 : index
    %get3A_11 = vector.load %arg2[%get3A_9, %get3A_10] : memref<10240x1xf32, #tpu.memory_space<vmem>>, vector<10240x1xf32>
    %get3A_12 = arith.constant 0 : index
    %get3A_13 = arith.constant 0 : index
    %get3A_14 = vector.load %arg1[%get3A_12, %get3A_13] : memref<10240x64xf32, #tpu.memory_space<vmem>>, vector<10240x64xf32>
    %add3A_15 = arith.addf %add3A, %get3A_14 : vector<10240x64xf32>
    %mul3A = vector.broadcast %get3A_11 : vector<10240x1xf32> to vector<10240x64xf32>
    %mul3A_16 = arith.mulf %mul3A, %add3A_15 : vector<10240x64xf32>
    %get3A_17 = arith.constant 0 : index
    %get3A_18 = arith.constant 0 : index
    %get3A_19 = vector.load %arg5[%get3A_17, %get3A_18] : memref<1x64xf32, #tpu.memory_space<vmem>>, vector<1x64xf32>
    %add3A_20 = vector.broadcast %get3A_19 : vector<1x64xf32> to vector<10240x64xf32>
    %add3A_21 = arith.addf %mul3A_16, %add3A_20 : vector<10240x64xf32>
    %max3A = arith.constant 0.000000e+00 : f32
    %max3A_22 = vector.broadcast %max3A : f32 to vector<10240x64xf32>
    %max3A_23 = arith.maximumf %add3A_21, %max3A_22 : vector<10240x64xf32>
    %get3A_24 = arith.constant 0 : index
    %get3A_25 = arith.constant 0 : index
    %get3A_26 = vector.load %arg6[%get3A_24, %get3A_25] : memref<1x64xf32, #tpu.memory_space<vmem>>, vector<1x64xf32>
    %mul3A_27 = arith.mulf %get3A_26, %get3A_26 : vector<1x64xf32>
    %reduce_sum3A = vector.shape_cast %mul3A_27 : vector<1x64xf32> to vector<1x1x64xf32>
    %reduce_sum3A_28 = arith.constant dense<0.000000e+00> : vector<1xf32>
    %reduce_sum3A_29 = vector.multi_reduction <add>, %reduce_sum3A, %reduce_sum3A_28 [1, 2] : vector<1x1x64xf32> to vector<1xf32>
    %reduce_sum3A_30 = vector.shape_cast %reduce_sum3A_29 : vector<1xf32> to vector<1x1x1xf32>
    %reduce_sum3A_31 = vector.extract %reduce_sum3A_30[0, 0, 0] : f32 from vector<1x1x1xf32>
    %rsqrt3A = math.rsqrt %reduce_sum3A_31 : f32
    %transpose3A = tpu.transpose %get3A_26, [1, 0] : vector<1x64xf32> -> vector<64x1xf32>
    %dot_general3A = arith.constant dense<0.000000e+00> : vector<10240x1xf32>
    %dot_general3A_32 = tpu.matmul %max3A_23, %transpose3A, %dot_general3A {dimension_numbers = #tpu.dot_dimension_numbers<[1], [0], [0], [1], [0, 0, 1, 1], [], []>, transpose_lhs_hint = false} : vector<10240x64xf32>, vector<64x1xf32>, vector<10240x1xf32> -> vector<10240x1xf32>
    %mul3A_33 = vector.broadcast %rsqrt3A : f32 to vector<10240x1xf32>
    %mul3A_34 = arith.mulf %dot_general3A_32, %mul3A_33 : vector<10240x1xf32>
    %tanh3A = math.tanh %mul3A_34 : vector<10240x1xf32>
    %iota3A = tpu.iota {dimensions = array<i32: 0>} : vector<10240x1xi32>
    %lt3A = arith.constant 10000 : i32
    %lt3A_35 = vector.broadcast %lt3A : i32 to vector<10240x1xi32>
    %lt3A_36 = arith.cmpi slt, %iota3A, %lt3A_35 : vector<10240x1xi32>
    %jit3A = arith.constant -2.000000e+00 : f32
    %broadcast_in_dim3A = vector.broadcast %jit3A : f32 to vector<10240x1xf32>
    %select_n3A = arith.select %lt3A_36, %tanh3A, %broadcast_in_dim3A : vector<10240x1xi1>, vector<10240x1xf32>
    %scan3A = arith.constant 0 : i32
    %scan3A_37 = arith.constant 100 : i32
    %scan3A_38 = arith.addi %scan3A, %scan3A_37 : i32
    %scan3A_39 = arith.constant 1 : i32
    %scan3A_40 = scf.for %scan3A_200 = %scan3A to %scan3A_38 step %scan3A_39 iter_args(%scan3A_201 = %select_n3A) -> (vector<10240x1xf32>)  : i32 {
      %reduce_max3A = vector.shape_cast %scan3A_201 : vector<10240x1xf32> to vector<1x10240x1xf32>
      %reduce_max3A_202 = arith.constant dense<0xFF800000> : vector<1xf32>
      %reduce_max3A_203 = vector.multi_reduction <maximumf>, %reduce_max3A, %reduce_max3A_202 [1, 2] : vector<1x10240x1xf32> to vector<1xf32>
      %reduce_max3A_204 = vector.shape_cast %reduce_max3A_203 : vector<1xf32> to vector<1x1x1xf32>
      %reduce_max3A_205 = vector.extract %reduce_max3A_204[0, 0, 0] : f32 from vector<1x1x1xf32>
      %eq3A_206 = vector.broadcast %reduce_max3A_205 : f32 to vector<10240x1xf32>
      %eq3A_207 = arith.cmpf oeq, %scan3A_201, %eq3A_206 : vector<10240x1xf32>
      %jit3A_208 = arith.constant 1073741824 : i32
      %broadcast_in_dim3A_209 = vector.broadcast %jit3A_208 : i32 to vector<10240x1xi32>
      %select_n3A_210 = arith.select %eq3A_207, %iota3A, %broadcast_in_dim3A_209 : vector<10240x1xi1>, vector<10240x1xi32>
      %reduce_min3A = vector.shape_cast %select_n3A_210 : vector<10240x1xi32> to vector<1x10240x1xi32>
      %reduce_min3A_211 = arith.constant dense<2147483647> : vector<1xi32>
      %reduce_min3A_212 = vector.multi_reduction <minsi>, %reduce_min3A, %reduce_min3A_211 [1, 2] : vector<1x10240x1xi32> to vector<1xi32>
      %reduce_min3A_213 = vector.shape_cast %reduce_min3A_212 : vector<1xi32> to vector<1x1x1xi32>
      %reduce_min3A_214 = vector.extract %reduce_min3A_213[0, 0, 0] : i32 from vector<1x1x1xi32>
      %reshape3A = vector.broadcast %reduce_max3A_205 : f32 to vector<1x1xf32>
      %swap3A_215 = arith.index_cast %scan3A_200 : i32 to index
      %swap3A_216 = arith.constant 0 : index
      %swap3A_217 = vector.load %arg15[%swap3A_215, %swap3A_216] : memref<100x1xf32, #tpu.memory_space<vmem>>, vector<1x1xf32>
      tpu.vector_store %arg15[%swap3A_215, %swap3A_216], %reshape3A {strides = array<i32>} : memref<100x1xf32, #tpu.memory_space<vmem>>, vector<1x1xf32>,
      %reshape3A_218 = vector.broadcast %reduce_min3A_214 : i32 to vector<1x1xi32>
      %swap3A_219 = arith.index_cast %scan3A_200 : i32 to index
      %swap3A_220 = arith.constant 0 : index
      %swap3A_221 = vector.load %arg16[%swap3A_219, %swap3A_220] : memref<100x1xi32, #tpu.memory_space<vmem>>, vector<1x1xi32>
      tpu.vector_store %arg16[%swap3A_219, %swap3A_220], %reshape3A_218 {strides = array<i32>} : memref<100x1xi32, #tpu.memory_space<vmem>>, vector<1x1xi32>,
      %eq3A_222 = vector.broadcast %reduce_min3A_214 : i32 to vector<10240x1xi32>
      %eq3A_223 = arith.cmpi eq, %iota3A, %eq3A_222 : vector<10240x1xi32>
      %jit3A_224 = arith.constant -2.000000e+00 : f32
      %broadcast_in_dim3A_225 = vector.broadcast %jit3A_224 : f32 to vector<10240x1xf32>
      %select_n3A_226 = arith.select %eq3A_223, %broadcast_in_dim3A_225, %scan3A_201 : vector<10240x1xi1>, vector<10240x1xf32>
      scf.yield %select_n3A_226 : vector<10240x1xf32>
    }
    %scan3A_41 = arith.constant 100 : i32
    %get3A_42 = arith.constant 0 : index
    %get3A_43 = arith.constant 0 : index
    %get3A_44 = vector.load %arg15[%get3A_42, %get3A_43] : memref<100x1xf32, #tpu.memory_space<vmem>>, vector<100x1xf32>
    %get3A_45 = arith.constant 0 : index
    %get3A_46 = arith.constant 0 : index
    %get3A_47 = vector.load %arg16[%get3A_45, %get3A_46] : memref<100x1xi32, #tpu.memory_space<vmem>>, vector<100x1xi32>
    %iota3A_48 = tpu.iota {dimensions = array<i32: 1>} : vector<1x10240xi32>
    %eq3A = vector.broadcast %get3A_47 : vector<100x1xi32> to vector<100x10240xi32>
    %eq3A_49 = vector.broadcast %iota3A_48 : vector<1x10240xi32> to vector<100x10240xi32>
    %eq3A_50 = arith.cmpi eq, %eq3A, %eq3A_49 : vector<100x10240xi32>
    %convert_element_type3A = arith.extui %eq3A_50 : vector<100x10240xi1> to vector<100x10240xi32>
    %convert_element_type3A_51 = arith.sitofp %convert_element_type3A : vector<100x10240xi32> to vector<100x10240xf32>
    %dot_general3A_52 = arith.constant dense<0.000000e+00> : vector<100x64xf32>
    %dot_general3A_53 = tpu.matmul %convert_element_type3A_51, %max3A_23, %dot_general3A_52 {dimension_numbers = #tpu.dot_dimension_numbers<[1], [0], [0], [1], [0, 0, 1, 1], [], []>, transpose_lhs_hint = false} : vector<100x10240xf32>, vector<10240x64xf32>, vector<100x64xf32> -> vector<100x64xf32>
    %mul3A_54 = vector.broadcast %get3A_44 : vector<100x1xf32> to vector<100x64xf32>
    %mul3A_55 = arith.mulf %dot_general3A_53, %mul3A_54 : vector<100x64xf32>
    %reduce_sum3A_56 = arith.constant dense<0.000000e+00> : vector<64xf32>
    %reduce_sum3A_57 = vector.multi_reduction <add>, %mul3A_55, %reduce_sum3A_56 [0] : vector<100x64xf32> to vector<64xf32>
    %broadcast_in_dim3A_58 = vector.shape_cast %reduce_sum3A_57 : vector<64xf32> to vector<1x64xf32>
    %broadcast_in_dim3A_59 = arith.constant 0.000000e+00 : f32
    %broadcast_in_dim3A_60 = vector.broadcast %broadcast_in_dim3A_59 : f32 to vector<100x100xf32>
    %scan3A_61 = arith.constant 0 : i32
    %scan3A_62 = arith.constant 157 : i32
    %scan3A_63 = arith.addi %scan3A_61, %scan3A_62 : i32
    %scan3A_64 = arith.constant 1 : i32
    %scan3A_65 = scf.for %scan3A_200 = %scan3A_61 to %scan3A_63 step %scan3A_64 iter_args(%scan3A_201 = %broadcast_in_dim3A_60) -> (vector<100x100xf32>)  : i32 {
      %get3A_202 = arith.index_cast %scan3A_200 : i32 to index
      %get3A_203 = arith.constant 0 : index
      %get3A_204 = vector.load %arg3[%get3A_202, %get3A_203] : memref<157x2048xi32, #tpu.memory_space<vmem>>, vector<1x2048xi32>
      %get3A_205 = arith.index_cast %scan3A_200 : i32 to index
      %get3A_206 = arith.constant 0 : index
      %get3A_207 = vector.load %arg4[%get3A_205, %get3A_206] : memref<157x2048xi32, #tpu.memory_space<vmem>>, vector<1x2048xi32>
      %eq3A_208 = vector.broadcast %get3A_47 : vector<100x1xi32> to vector<100x2048xi32>
      %eq3A_209 = vector.broadcast %get3A_204 : vector<1x2048xi32> to vector<100x2048xi32>
      %eq3A_210 = arith.cmpi eq, %eq3A_208, %eq3A_209 : vector<100x2048xi32>
      %convert_element_type3A_211 = arith.extui %eq3A_210 : vector<100x2048xi1> to vector<100x2048xi32>
      %convert_element_type3A_212 = arith.sitofp %convert_element_type3A_211 : vector<100x2048xi32> to vector<100x2048xf32>
      %eq3A_213 = vector.broadcast %get3A_47 : vector<100x1xi32> to vector<100x2048xi32>
      %eq3A_214 = vector.broadcast %get3A_207 : vector<1x2048xi32> to vector<100x2048xi32>
      %eq3A_215 = arith.cmpi eq, %eq3A_213, %eq3A_214 : vector<100x2048xi32>
      %convert_element_type3A_216 = arith.extui %eq3A_215 : vector<100x2048xi1> to vector<100x2048xi32>
      %convert_element_type3A_217 = arith.sitofp %convert_element_type3A_216 : vector<100x2048xi32> to vector<100x2048xf32>
      %dot_general3A_218 = arith.constant dense<0.000000e+00> : vector<100x100xf32>
      %dot_general3A_219 = tpu.matmul %convert_element_type3A_217, %convert_element_type3A_212, %dot_general3A_218 {dimension_numbers = #tpu.dot_dimension_numbers<[1], [1], [0], [0], [0, 0, 1, 0], [], []>, transpose_lhs_hint = false} : vector<100x2048xf32>, vector<100x2048xf32>, vector<100x100xf32> -> vector<100x100xf32>
      %add3A_220 = arith.addf %scan3A_201, %dot_general3A_219 : vector<100x100xf32>
      scf.yield %add3A_220 : vector<100x100xf32>
    }
    %scan3A_66 = arith.constant 157 : i32
    %reduce_sum3A_67 = arith.constant dense<0.000000e+00> : vector<100xf32>
    %reduce_sum3A_68 = vector.multi_reduction <add>, %scan3A_65, %reduce_sum3A_67 [1] : vector<100x100xf32> to vector<100xf32>
    %broadcast_in_dim3A_69 = vector.shape_cast %reduce_sum3A_68 : vector<100xf32> to vector<100x1xf32>
    %add3A_70 = arith.constant 1.000000e+00 : f32
    %add3A_71 = vector.broadcast %add3A_70 : f32 to vector<100x1xf32>
    %add3A_72 = arith.addf %add3A_71, %broadcast_in_dim3A_69 : vector<100x1xf32>
    %rsqrt3A_73 = math.rsqrt %add3A_72 : vector<100x1xf32>
    %iota3A_74 = tpu.iota {dimensions = array<i32: 0>} : vector<100x100xi32>
    %iota3A_75 = tpu.iota {dimensions = array<i32: 1>} : vector<100x100xi32>
    %eq3A_76 = arith.cmpi eq, %iota3A_74, %iota3A_75 : vector<100x100xi32>
    %convert_element_type3A_77 = arith.extui %eq3A_76 : vector<100x100xi1> to vector<100x100xi32>
    %convert_element_type3A_78 = arith.sitofp %convert_element_type3A_77 : vector<100x100xi32> to vector<100x100xf32>
    %mul3A_79 = vector.broadcast %rsqrt3A_73 : vector<100x1xf32> to vector<100x100xf32>
    %mul3A_80 = arith.mulf %scan3A_65, %mul3A_79 : vector<100x100xf32>
    %transpose3A_81 = tpu.transpose %rsqrt3A_73, [1, 0] : vector<100x1xf32> -> vector<1x100xf32>
    %mul3A_82 = vector.broadcast %transpose3A_81 : vector<1x100xf32> to vector<100x100xf32>
    %mul3A_83 = arith.mulf %mul3A_80, %mul3A_82 : vector<100x100xf32>
    %mul3A_84 = arith.mulf %rsqrt3A_73, %rsqrt3A_73 : vector<100x1xf32>
    %mul3A_85 = vector.broadcast %mul3A_84 : vector<100x1xf32> to vector<100x100xf32>
    %mul3A_86 = arith.mulf %convert_element_type3A_78, %mul3A_85 : vector<100x100xf32>
    %add3A_87 = arith.addf %mul3A_83, %mul3A_86 : vector<100x100xf32>
    %get3A_88 = arith.constant 0 : index
    %get3A_89 = arith.constant 0 : index
    %get3A_90 = vector.load %arg7[%get3A_88, %get3A_89] : memref<64x64xf32, #tpu.memory_space<vmem>>, vector<64x64xf32>
    %dot_general3A_91 = arith.constant dense<0.000000e+00> : vector<100x64xf32>
    %dot_general3A_92 = tpu.matmul %mul3A_55, %get3A_90, %dot_general3A_91 {dimension_numbers = #tpu.dot_dimension_numbers<[1], [0], [0], [1], [0, 0, 1, 1], [], []>, transpose_lhs_hint = false} : vector<100x64xf32>, vector<64x64xf32>, vector<100x64xf32> -> vector<100x64xf32>
    %dot_general3A_93 = arith.constant dense<0.000000e+00> : vector<100x64xf32>
    %dot_general3A_94 = tpu.matmul %add3A_87, %dot_general3A_92, %dot_general3A_93 {dimension_numbers = #tpu.dot_dimension_numbers<[1], [0], [0], [1], [0, 0, 1, 1], [], []>, transpose_lhs_hint = false} : vector<100x100xf32>, vector<100x64xf32>, vector<100x64xf32> -> vector<100x64xf32>
    %get3A_95 = arith.constant 0 : index
    %get3A_96 = arith.constant 0 : index
    %get3A_97 = vector.load %arg8[%get3A_95, %get3A_96] : memref<1x64xf32, #tpu.memory_space<vmem>>, vector<1x64xf32>
    %add3A_98 = vector.broadcast %get3A_97 : vector<1x64xf32> to vector<100x64xf32>
    %add3A_99 = arith.addf %dot_general3A_94, %add3A_98 : vector<100x64xf32>
    %max3A_100 = arith.constant 0.000000e+00 : f32
    %max3A_101 = vector.broadcast %max3A_100 : f32 to vector<100x64xf32>
    %max3A_102 = arith.maximumf %add3A_99, %max3A_101 : vector<100x64xf32>
    %get3A_103 = arith.constant 0 : index
    %get3A_104 = arith.constant 0 : index
    %get3A_105 = vector.load %arg9[%get3A_103, %get3A_104] : memref<1x64xf32, #tpu.memory_space<vmem>>, vector<1x64xf32>
    %mul3A_106 = arith.mulf %get3A_105, %get3A_105 : vector<1x64xf32>
    %reduce_sum3A_107 = vector.shape_cast %mul3A_106 : vector<1x64xf32> to vector<1x1x64xf32>
    %reduce_sum3A_108 = arith.constant dense<0.000000e+00> : vector<1xf32>
    %reduce_sum3A_109 = vector.multi_reduction <add>, %reduce_sum3A_107, %reduce_sum3A_108 [1, 2] : vector<1x1x64xf32> to vector<1xf32>
    %reduce_sum3A_110 = vector.shape_cast %reduce_sum3A_109 : vector<1xf32> to vector<1x1x1xf32>
    %reduce_sum3A_111 = vector.extract %reduce_sum3A_110[0, 0, 0] : f32 from vector<1x1x1xf32>
    %rsqrt3A_112 = math.rsqrt %reduce_sum3A_111 : f32
    %transpose3A_113 = tpu.transpose %get3A_105, [1, 0] : vector<1x64xf32> -> vector<64x1xf32>
    %dot_general3A_114 = arith.constant dense<0.000000e+00> : vector<100x1xf32>
    %dot_general3A_115 = tpu.matmul %max3A_102, %transpose3A_113, %dot_general3A_114 {dimension_numbers = #tpu.dot_dimension_numbers<[1], [0], [0], [1], [0, 0, 1, 1], [], []>, transpose_lhs_hint = false} : vector<100x64xf32>, vector<64x1xf32>, vector<100x1xf32> -> vector<100x1xf32>
    %mul3A_116 = vector.broadcast %rsqrt3A_112 : f32 to vector<100x1xf32>
    %mul3A_117 = arith.mulf %dot_general3A_115, %mul3A_116 : vector<100x1xf32>
    %tanh3A_118 = math.tanh %mul3A_117 : vector<100x1xf32>
    %iota3A_119 = tpu.iota {dimensions = array<i32: 0>} : vector<100x1xi32>
    %scan3A_120 = arith.constant 0 : i32
    %scan3A_121 = arith.constant 25 : i32
    %scan3A_122 = arith.addi %scan3A_120, %scan3A_121 : i32
    %scan3A_123 = arith.constant 1 : i32
    %scan3A_124 = scf.for %scan3A_200 = %scan3A_120 to %scan3A_122 step %scan3A_123 iter_args(%scan3A_201 = %tanh3A_118) -> (vector<100x1xf32>)  : i32 {
      %reduce_max3A = vector.shape_cast %scan3A_201 : vector<100x1xf32> to vector<1x100x1xf32>
      %reduce_max3A_202 = arith.constant dense<0xFF800000> : vector<1xf32>
      %reduce_max3A_203 = vector.multi_reduction <maximumf>, %reduce_max3A, %reduce_max3A_202 [1, 2] : vector<1x100x1xf32> to vector<1xf32>
      %reduce_max3A_204 = vector.shape_cast %reduce_max3A_203 : vector<1xf32> to vector<1x1x1xf32>
      %reduce_max3A_205 = vector.extract %reduce_max3A_204[0, 0, 0] : f32 from vector<1x1x1xf32>
      %eq3A_206 = vector.broadcast %reduce_max3A_205 : f32 to vector<100x1xf32>
      %eq3A_207 = arith.cmpf oeq, %scan3A_201, %eq3A_206 : vector<100x1xf32>
      %jit3A_208 = arith.constant 1073741824 : i32
      %broadcast_in_dim3A_209 = vector.broadcast %jit3A_208 : i32 to vector<100x1xi32>
      %select_n3A_210 = arith.select %eq3A_207, %iota3A_119, %broadcast_in_dim3A_209 : vector<100x1xi1>, vector<100x1xi32>
      %reduce_min3A = vector.shape_cast %select_n3A_210 : vector<100x1xi32> to vector<1x100x1xi32>
      %reduce_min3A_211 = arith.constant dense<2147483647> : vector<1xi32>
      %reduce_min3A_212 = vector.multi_reduction <minsi>, %reduce_min3A, %reduce_min3A_211 [1, 2] : vector<1x100x1xi32> to vector<1xi32>
      %reduce_min3A_213 = vector.shape_cast %reduce_min3A_212 : vector<1xi32> to vector<1x1x1xi32>
      %reduce_min3A_214 = vector.extract %reduce_min3A_213[0, 0, 0] : i32 from vector<1x1x1xi32>
      %reshape3A = vector.broadcast %reduce_max3A_205 : f32 to vector<1x1xf32>
      %swap3A_215 = arith.index_cast %scan3A_200 : i32 to index
      %swap3A_216 = arith.constant 0 : index
      %swap3A_217 = vector.load %arg17[%swap3A_215, %swap3A_216] : memref<25x1xf32, #tpu.memory_space<vmem>>, vector<1x1xf32>
      tpu.vector_store %arg17[%swap3A_215, %swap3A_216], %reshape3A {strides = array<i32>} : memref<25x1xf32, #tpu.memory_space<vmem>>, vector<1x1xf32>,
      %reshape3A_218 = vector.broadcast %reduce_min3A_214 : i32 to vector<1x1xi32>
      %swap3A_219 = arith.index_cast %scan3A_200 : i32 to index
      %swap3A_220 = arith.constant 0 : index
      %swap3A_221 = vector.load %arg18[%swap3A_219, %swap3A_220] : memref<25x1xi32, #tpu.memory_space<vmem>>, vector<1x1xi32>
      tpu.vector_store %arg18[%swap3A_219, %swap3A_220], %reshape3A_218 {strides = array<i32>} : memref<25x1xi32, #tpu.memory_space<vmem>>, vector<1x1xi32>,
      %eq3A_222 = vector.broadcast %reduce_min3A_214 : i32 to vector<100x1xi32>
      %eq3A_223 = arith.cmpi eq, %iota3A_119, %eq3A_222 : vector<100x1xi32>
      %jit3A_224 = arith.constant -2.000000e+00 : f32
      %broadcast_in_dim3A_225 = vector.broadcast %jit3A_224 : f32 to vector<100x1xf32>
      %select_n3A_226 = arith.select %eq3A_223, %broadcast_in_dim3A_225, %scan3A_201 : vector<100x1xi1>, vector<100x1xf32>
      scf.yield %select_n3A_226 : vector<100x1xf32>
    }
    %scan3A_125 = arith.constant 25 : i32
    %get3A_126 = arith.constant 0 : index
    %get3A_127 = arith.constant 0 : index
    %get3A_128 = vector.load %arg17[%get3A_126, %get3A_127] : memref<25x1xf32, #tpu.memory_space<vmem>>, vector<25x1xf32>
    %get3A_129 = arith.constant 0 : index
    %get3A_130 = arith.constant 0 : index
    %get3A_131 = vector.load %arg18[%get3A_129, %get3A_130] : memref<25x1xi32, #tpu.memory_space<vmem>>, vector<25x1xi32>
    %iota3A_132 = tpu.iota {dimensions = array<i32: 1>} : vector<1x100xi32>
    %eq3A_133 = vector.broadcast %get3A_131 : vector<25x1xi32> to vector<25x100xi32>
    %eq3A_134 = vector.broadcast %iota3A_132 : vector<1x100xi32> to vector<25x100xi32>
    %eq3A_135 = arith.cmpi eq, %eq3A_133, %eq3A_134 : vector<25x100xi32>
    %convert_element_type3A_136 = arith.extui %eq3A_135 : vector<25x100xi1> to vector<25x100xi32>
    %convert_element_type3A_137 = arith.sitofp %convert_element_type3A_136 : vector<25x100xi32> to vector<25x100xf32>
    %dot_general3A_138 = arith.constant dense<0.000000e+00> : vector<25x64xf32>
    %dot_general3A_139 = tpu.matmul %convert_element_type3A_137, %max3A_102, %dot_general3A_138 {dimension_numbers = #tpu.dot_dimension_numbers<[1], [0], [0], [1], [0, 0, 1, 1], [], []>, transpose_lhs_hint = false} : vector<25x100xf32>, vector<100x64xf32>, vector<25x64xf32> -> vector<25x64xf32>
    %mul3A_140 = vector.broadcast %get3A_128 : vector<25x1xf32> to vector<25x64xf32>
    %mul3A_141 = arith.mulf %dot_general3A_139, %mul3A_140 : vector<25x64xf32>
    %reduce_sum3A_142 = arith.constant dense<0.000000e+00> : vector<64xf32>
    %reduce_sum3A_143 = vector.multi_reduction <add>, %mul3A_141, %reduce_sum3A_142 [0] : vector<25x64xf32> to vector<64xf32>
    %broadcast_in_dim3A_144 = vector.shape_cast %reduce_sum3A_143 : vector<64xf32> to vector<1x64xf32>
    %dot_general3A_145 = arith.constant dense<0.000000e+00> : vector<25x100xf32>
    %dot_general3A_146 = tpu.matmul %convert_element_type3A_137, %scan3A_65, %dot_general3A_145 {dimension_numbers = #tpu.dot_dimension_numbers<[1], [0], [0], [1], [0, 0, 1, 1], [], []>, transpose_lhs_hint = false} : vector<25x100xf32>, vector<100x100xf32>, vector<25x100xf32> -> vector<25x100xf32>
    %transpose3A_147 = tpu.transpose %convert_element_type3A_137, [1, 0] : vector<25x100xf32> -> vector<100x25xf32>
    %dot_general3A_148 = arith.constant dense<0.000000e+00> : vector<25x25xf32>
    %dot_general3A_149 = tpu.matmul %dot_general3A_146, %transpose3A_147, %dot_general3A_148 {dimension_numbers = #tpu.dot_dimension_numbers<[1], [0], [0], [1], [0, 0, 1, 1], [], []>, transpose_lhs_hint = false} : vector<25x100xf32>, vector<100x25xf32>, vector<25x25xf32> -> vector<25x25xf32>
    %reduce_sum3A_150 = arith.constant dense<0.000000e+00> : vector<25xf32>
    %reduce_sum3A_151 = vector.multi_reduction <add>, %dot_general3A_149, %reduce_sum3A_150 [1] : vector<25x25xf32> to vector<25xf32>
    %broadcast_in_dim3A_152 = vector.shape_cast %reduce_sum3A_151 : vector<25xf32> to vector<25x1xf32>
    %add3A_153 = arith.constant 1.000000e+00 : f32
    %add3A_154 = vector.broadcast %add3A_153 : f32 to vector<25x1xf32>
    %add3A_155 = arith.addf %add3A_154, %broadcast_in_dim3A_152 : vector<25x1xf32>
    %rsqrt3A_156 = math.rsqrt %add3A_155 : vector<25x1xf32>
    %iota3A_157 = tpu.iota {dimensions = array<i32: 0>} : vector<25x25xi32>
    %iota3A_158 = tpu.iota {dimensions = array<i32: 1>} : vector<25x25xi32>
    %eq3A_159 = arith.cmpi eq, %iota3A_157, %iota3A_158 : vector<25x25xi32>
    %convert_element_type3A_160 = arith.extui %eq3A_159 : vector<25x25xi1> to vector<25x25xi32>
    %convert_element_type3A_161 = arith.sitofp %convert_element_type3A_160 : vector<25x25xi32> to vector<25x25xf32>
    %mul3A_162 = vector.broadcast %rsqrt3A_156 : vector<25x1xf32> to vector<25x25xf32>
    %mul3A_163 = arith.mulf %dot_general3A_149, %mul3A_162 : vector<25x25xf32>
    %transpose3A_164 = tpu.transpose %rsqrt3A_156, [1, 0] : vector<25x1xf32> -> vector<1x25xf32>
    %mul3A_165 = vector.broadcast %transpose3A_164 : vector<1x25xf32> to vector<25x25xf32>
    %mul3A_166 = arith.mulf %mul3A_163, %mul3A_165 : vector<25x25xf32>
    %mul3A_167 = arith.mulf %rsqrt3A_156, %rsqrt3A_156 : vector<25x1xf32>
    %mul3A_168 = vector.broadcast %mul3A_167 : vector<25x1xf32> to vector<25x25xf32>
    %mul3A_169 = arith.mulf %convert_element_type3A_161, %mul3A_168 : vector<25x25xf32>
    %add3A_170 = arith.addf %mul3A_166, %mul3A_169 : vector<25x25xf32>
    %get3A_171 = arith.constant 0 : index
    %get3A_172 = arith.constant 0 : index
    %get3A_173 = vector.load %arg10[%get3A_171, %get3A_172] : memref<64x64xf32, #tpu.memory_space<vmem>>, vector<64x64xf32>
    %dot_general3A_174 = arith.constant dense<0.000000e+00> : vector<25x64xf32>
    %dot_general3A_175 = tpu.matmul %mul3A_141, %get3A_173, %dot_general3A_174 {dimension_numbers = #tpu.dot_dimension_numbers<[1], [0], [0], [1], [0, 0, 1, 1], [], []>, transpose_lhs_hint = false} : vector<25x64xf32>, vector<64x64xf32>, vector<25x64xf32> -> vector<25x64xf32>
    %dot_general3A_176 = arith.constant dense<0.000000e+00> : vector<25x64xf32>
    %dot_general3A_177 = tpu.matmul %add3A_170, %dot_general3A_175, %dot_general3A_176 {dimension_numbers = #tpu.dot_dimension_numbers<[1], [0], [0], [1], [0, 0, 1, 1], [], []>, transpose_lhs_hint = false} : vector<25x25xf32>, vector<25x64xf32>, vector<25x64xf32> -> vector<25x64xf32>
    %get3A_178 = arith.constant 0 : index
    %get3A_179 = arith.constant 0 : index
    %get3A_180 = vector.load %arg11[%get3A_178, %get3A_179] : memref<1x64xf32, #tpu.memory_space<vmem>>, vector<1x64xf32>
    %add3A_181 = vector.broadcast %get3A_180 : vector<1x64xf32> to vector<25x64xf32>
    %add3A_182 = arith.addf %dot_general3A_177, %add3A_181 : vector<25x64xf32>
    %max3A_183 = arith.constant 0.000000e+00 : f32
    %max3A_184 = vector.broadcast %max3A_183 : f32 to vector<25x64xf32>
    %max3A_185 = arith.maximumf %add3A_182, %max3A_184 : vector<25x64xf32>
    %reduce_sum3A_186 = arith.constant dense<0.000000e+00> : vector<64xf32>
    %reduce_sum3A_187 = vector.multi_reduction <add>, %max3A_185, %reduce_sum3A_186 [0] : vector<25x64xf32> to vector<64xf32>
    %broadcast_in_dim3A_188 = vector.shape_cast %reduce_sum3A_187 : vector<64xf32> to vector<1x64xf32>
    %concatenate3A = tpu.concatenate %broadcast_in_dim3A_188, %broadcast_in_dim3A_144, %broadcast_in_dim3A_58 in 1 : vector<1x64xf32>, vector<1x64xf32>, vector<1x64xf32> -> vector<1x192xf32>
    %get3A_189 = arith.constant 0 : index
    %get3A_190 = arith.constant 0 : index
    %get3A_191 = vector.load %arg12[%get3A_189, %get3A_190] : memref<192x2xf32, #tpu.memory_space<vmem>>, vector<192x2xf32>
    %dot_general3A_192 = arith.constant dense<0.000000e+00> : vector<1x2xf32>
    %dot_general3A_193 = tpu.matmul %concatenate3A, %get3A_191, %dot_general3A_192 {dimension_numbers = #tpu.dot_dimension_numbers<[1], [0], [0], [1], [0, 0, 1, 1], [], []>, transpose_lhs_hint = false} : vector<1x192xf32>, vector<192x2xf32>, vector<1x2xf32> -> vector<1x2xf32>
    %get3A_194 = arith.constant 0 : index
    %get3A_195 = arith.constant 0 : index
    %get3A_196 = vector.load %arg13[%get3A_194, %get3A_195] : memref<1x2xf32, #tpu.memory_space<vmem>>, vector<1x2xf32>
    %add3A_197 = arith.addf %dot_general3A_193, %get3A_196 : vector<1x2xf32>
    %swap3A = arith.constant 0 : index
    %swap3A_198 = arith.constant 0 : index
    %swap3A_199 = vector.load %arg14[%swap3A, %swap3A_198] : memref<1x2xf32, #tpu.memory_space<vmem>>, vector<1x2xf32>
    tpu.vector_store %arg14[%swap3A, %swap3A_198], %add3A_197 {strides = array<i32>} : memref<1x2xf32, #tpu.memory_space<vmem>>, vector<1x2xf32>,
    return
  }
}

</mosaic_0001>

<sc_bundles>
// kernel: kernel.6.cloned.1.call-start
scs
__scs_entry_jumppad:
0x0: {  	(pc) =	sbr.rel $0x88, $3  }
0x1: {  	(tag) =	ssettag $0x0;
	lr =	simm.s32 $0x1  }
0x2: {  	[smem:$0x3F95] =	sst lr;
	_ =	strace $0xD0000000  }
0x3: {  	_ = 	snop  }
0x4: {  	_ = 	snop  }
0x5: {  	_ = 	snop  }
0x6: {  	_ = 	snop  }
0x7: {  	_ = 	snop  }
__scs_overlays_trampoline_lowered:
0x8: {  	[smem:$0x3FA4] =	sst s0  }
0x9: {  	[smem:$0x3FA5] =	sst s1  }
0xa: {  	[smem:$0x3FA6] =	sst s2  }
0xb: {  	[smem:$0x3FA7] =	sst s3  }
0xc: {  	[smem:$0x3FA8] =	sst s4  }
0xd: {  	[smem:$0x3FA9] =	sst s5  }
0xe: {  	[smem:$0x3FAA] =	sst s6  }
0xf: {  	[smem:$0x3FAB] =	sst s7  }
0x10: {  	[smem:$0x3FAC] =	sst s8  }
0x11: {  	[smem:$0x3FAD] =	sst s9;
	s0 =	simm.s32 @!p0 $0x0  }
0x12: {  	s1 =	sld [smem:$0x3F93];
	s0 =	simm.s32 @p0 $0x1  }
0x13: {  	[smem:$0x3FAE] =	sst s0;
	s0 =	simm.s32 @!p1 $0x0  }
0x14: {  	s2 =	sld [smem:$0x3F92];
	s0 =	simm.s32 @p1 $0x1  }
0x15: {  	[smem:$0x3FAF] =	sst s0;
	s0 =	simm.s32 @!p2 $0x0  }
0x16: {  	s3 =	sld [smem:$0x3FDB];
	s0 =	simm.s32 @p2 $0x1  }
0x17: {  	s4 =	simm.s32 $0x1BF5;
	[smem:$0x3FB1] =	sst s0  }
0x18: {  	s0 =	sld [smem:$0x3F94];
	_ =	swait.ge [sflag:s4], $0x0  }
0x19: {  	s7 =	sld [smem:$0x3F95]  }
0x1a: {  	s8 =	sadd.s32 $0xFFFFE003, lr  }
0x1b: {  	s9 =	sadd.s32 $0xFFFFFEF7, lr;
	s5 =	simm.s32 $0xFFFFFFFF;
	p2 =	slt.u32 s8, $0xFFFFF086  }
0x1c: {  	p1 =	slt.u32 s9, $0xF7A;
	s5 =	simm.s32 @!p2 $0x0  }
0x1d: {  	s5 =	simm.s32 @p1 $0x1;
	p0 =	seq.s32 s7, s2  }
0x1e: {  	s7 =	smul.u32 @!p0 $0xF7A, s2;
	p2 =	seq.s32 @!p0 s5, $0x0  }
0x1f: {  	s9 =	smul.u32 $0xF7A, s1;
	s8 =	simm.s32 @!p0 $0x1BF5;
	p2 =	por !p2, p0  }
0x20: {  	[sflag:s8] =	ssyncset.s32 @!p0 $0xFFFFF086;
	s6 =	sadd.s32 @!p0 s3, s7;
	s7 =	simm.s32 @!p0 $0x108  }
0x21: {  	s3 =	sadd.s32 s3, s9;
	s6 =	sadd.s32 @!p0 $0x88, s6;
	s7 =	simm.s32 @p2 $0x1082  }
0x22: {  	[simem:s7], [sflag:s8] =	dma.local @!p0 [hbm:s6], $0xF7A  }
0x23: {  	s9 =	sor.u32 $0xD0000000, s2;
	s6 =	simm.s32 $0x108;
	_ =	swait.ge @!p0 [sflag:s8], $0x0  }
0x24: {  	s3 =	sadd.s32 $0x88, s3;
	s6 =	simm.s32 @!p1 $0x1082;
	[sflag:s4] =	ssyncset.s32 $0xFFFFF086  }
0x25: {  	[simem:s6], [sflag:s4] =	dma.local [hbm:s3], $0xF7A  }
0x26: {  	[smem:$0x3F95] =	sst s1;
	(tag) =	ssettag s2;
	_ =	strace s9  }
0x27: {  	s1 =	sld [smem:$0x3FA5]  }
0x28: {  	s2 =	sld [smem:$0x3FA6]  }
0x29: {  	s4 =	sld [smem:$0x3FA8]  }
0x2a: {  	p0 =	seq.s32 s5, $0x0;
	s5 =	sld [smem:$0x3FA9]  }
0x2b: {  	s6 =	sld [smem:$0x3FAA]  }
0x2c: {  	s7 =	sld [smem:$0x3FAB]  }
0x2d: {  	s3 =	simm.s32 $0x108;
	s8 =	sld [smem:$0x3FAC]  }
0x2e: {  	s3 =	simm.s32 @!p0 $0x1082;
	s9 =	sld [smem:$0x3FAD]  }
0x2f: {  	lr =	sadd.s32 s0, s3;
	s0 =	sld [smem:$0x3FA4]  }
0x30: {  	s3 =	sld [smem:$0x3FA7]  }
0x31: {  	[smem:$0x3FB0] =	sst s10  }
0x32: {  	s10 =	sld [smem:$0x3FAE];
	_ =	sdelay $0x3  }
0x33: {  	p0 =	seq.s32 s10, $0x1;
	s10 =	sld [smem:$0x3FB0];
	_ =	sdelay $0x3  }
0x34: {  	[smem:$0x3FB0] =	sst s10  }
0x35: {  	s10 =	sld [smem:$0x3FAF];
	_ =	sdelay $0x3  }
0x36: {  	p1 =	seq.s32 s10, $0x1;
	s10 =	sld [smem:$0x3FB0];
	_ =	sdelay $0x3  }
0x37: {  	[smem:$0x3FB0] =	sst s10  }
0x38: {  	s10 =	sld [smem:$0x3FB1]  }
0x39: {  	_ = 	snop;
	(pc) =	sbr.ind lr, $3  }
0x3a: {  	_ = 	snop  }
0x3b: {  	_ = 	snop  }
0x3c: {  	p2 =	seq.s32 s10, $0x1;
	s10 =	sld [smem:$0x3FB0]  }
0x3d: {  	_ =	shalt  }
0x3e: {  	_ =	shalt  }
0x3f: {  	_ =	shalt  }
0x40: {  	_ =	shalt  }
0x41: {  	_ =	shalt  }
0x42: {  	_ =	shalt  }
0x43: {  	_ =	shalt  }
0x44: {  	_ =	shalt  }
0x45: {  	_ =	shalt  }
0x46: {  	_ =	shalt  }
0x47: {  	_ =	shalt  }
0x48: {  	_ =	shalt  }
0x49: {  	_ =	shalt  }
0x4a: {  	_ =	shalt  }
0x4b: {  	_ =	shalt  }
0x4c: {  	_ =	shalt  }
0x4d: {  	_ =	shalt  }
0x4e: {  	_ =	shalt  }
0x4f: {  	_ =	shalt  }
0x50: {  	_ =	shalt  }
0x51: {  	_ =	shalt  }
0x52: {  	_ =	shalt  }
0x53: {  	_ =	shalt  }
0x54: {  	_ =	shalt  }
0x55: {  	_ =	shalt  }
0x56: {  	_ =	shalt  }
0x57: {  	_ =	shalt  }
0x58: {  	_ =	shalt  }
0x59: {  	_ =	shalt  }
0x5a: {  	_ =	shalt  }
0x5b: {  	_ =	shalt  }
0x5c: {  	_ =	shalt  }
0x5d: {  	_ =	shalt  }
0x5e: {  	_ =	shalt  }
0x5f: {  	_ =	shalt  }
0x60: {  	_ =	shalt  }
0x61: {  	_ =	shalt  }
0x62: {  	_ =	shalt  }
0x63: {  	_ =	shalt  }
0x64: {  	_ =	shalt  }
0x65: {  	_ =	shalt  }
0x66: {  	_ =	shalt  }
0x67: {  	_ =	shalt  }
0x68: {  	_ =	shalt  }
0x69: {  	_ =	shalt  }
0x6a: {  	_ =	shalt  }
0x6b: {  	_ =	shalt  }
0x6c: {  	_ =	shalt  }
0x6d: {  	_ =	shalt  }
0x6e: {  	_ =	shalt  }
0x6f: {  	_ =	shalt  }
0x70: {  	_ =	shalt  }
0x71: {  	_ =	shalt  }
0x72: {  	_ =	shalt  }
0x73: {  	_ =	shalt  }
0x74: {  	_ =	shalt  }
0x75: {  	_ =	shalt  }
0x76: {  	_ =	shalt  }
0x77: {  	_ =	shalt  }
0x78: {  	_ =	shalt  }
0x79: {  	_ =	shalt  }
0x7a: {  	_ =	shalt  }
0x7b: {  	_ =	shalt  }
0x7c: {  	_ =	shalt  }
0x7d: {  	_ =	shalt  }
0x7e: {  	_ =	shalt  }
0x7f: {  	_ =	shalt  }
0x80: {  	_ =	shalt  }
0x81: {  	_ =	shalt  }
0x82: {  	_ =	shalt  }
0x83: {  	_ =	shalt  }
0x84: {  	_ =	shalt  }
0x85: {  	_ =	shalt  }
0x86: {  	_ =	shalt  }
0x87: {  	_ =	shalt  }
.Lfunc_end0:
.L_simem_size_0:
called_computation_lowered:
.L_overlay_start_0:
0x88: {  	s2 =	sld [smem:$0x3FD9]  }
0x89: {  	s3 =	sld [smem:$0x3FFE];
	_ =	sdelay $0x1  }
0x8a: {  	s1 =	srdreg.scid  }
0x8b: {  	s0 =	sand.u32 $0x1, s1  }
0x8c: {  	s16 =	sshll.u32 s0, $0xA;
	s2 =	sadd.s32 s3, s2  }
0x8d: {  	s2 =	sadd.s32 s2, s16  }
0x8e: {  	[smem:$0x3FBC] =	sst s2  }
0x8f: {  	_ = 	snop  }
0x90: {  	(tm) =	ssettm $0x1  }
0x91: {  	s17 =	sld [smem:$0x3FFB];
	_ =	sdelay $0x3  }
0x92: {  	_ =	strace s17  }
0x93: {  	s2 =	sld [smem:$0x3FFC];
	_ =	sdelay $0x3  }
0x94: {  	_ =	strace s2  }
0x95: {  	s2 =	sld [smem:$0x3FFD];
	_ =	sdelay $0x3  }
0x96: {  	_ =	strace s2  }
0x97: {  	_ =	strace $0x8FFFFFFF  }
0x98: {  	s18 =	sld [smem:$0x3FDB];
	_ =	sdelay $0x1  }
0x99: {  	s19 =	simm.s32 $_scs_section_size  }
0x9a: {  	s4 =	simm.s32 $_size__tile_overlayer_lowered;
	s5 =	simm.s32 $_tile_overlayer_lowered  }
0x9b: {  	s22 =	simm.s32 $0x1BFF;
	s21 =	sshll.u32 s5, $0x1;
	s2 =	sadd.s32 s19, s18  }
0x9c: {  	s6 =	simm.s32 $0x0;
	s20 =	sshll.u32 s4, $0x1;
	s4 =	sadd.s32 s21, s2  }
0x9d: {  	[timem:s6], [sflag:s22] =	dma.local [hbm:s4], s20  }
0x9e: {  	_ =	swait.ge [sflag:s22], s20  }
0x9f: {  	s3 =	ssub.s32 $0x0, s20;
	[sflag:s22] =	ssyncset.done $0x0  }
0xa0: {  	[sflag:s22] =	ssyncadd.s32 s3;
	_ =	sdelay $0x1  }
0xa1: {  	s23 =	simm.s32 $0x1B8B  }
0xa2: {  	_ =	swait.ge [sflag:s23], $0x1  }
0xa3: {  	[sflag:s23] =	ssyncset.done $0x0  }
0xa4: {  	s25 =	simm.s32 $0x1B8E;
	s24 =	sld [smem:$0x3FFE];
	[sflag:s23] =	ssyncadd.s32 $0xFFFFFFFF  }
0xa5: {  	s26 =	simm.s32 $execute0_lowered;
	[smem:$0x3FD2] =	sst s25  }
0xa6: {  	s4 =	sshll.u32 s26, $0x1;
	_ =	strace $0x80000046;
	[dreg:$0x1] =	wrdreg $0xFFFFFFFF  }
0xa7: {  	s28 =	simm.s32 $_size_execute0_lowered;
	s2 =	sadd.s32 s2, s4;
	[dreg:$0x0] =	wrdreg $0x0  }
0xa8: {  	s4 =	sshll.u32 s28, $0x1;
	[dreg:$0x2] =	wrdreg s2  }
0xa9: {  	[dreg:$0x3] =	wrdreg s4  }
0xaa: {  	[dreg:$0x4] =	wrdreg $0xC0  }
0xab: {  	_ =	task [dreg:s6], $0x5FFFF  }
0xac: {  	[dreg:$0x1] =	wrdreg $0xFFFFFFFF  }
0xad: {  	[dreg:$0x0] =	wrdreg $0x60  }
0xae: {  	[dreg:$0x2] =	wrdreg s24  }
0xaf: {  	[dreg:$0x3] =	wrdreg $0x30000  }
0xb0: {  	[dreg:$0x4] =	wrdreg $0x9  }
0xb1: {  	_ =	task.clear_ibuf [dreg:s6], $0x5FFFF;
	_ =	strace $0x90000046  }
0xb2: {  	s29 =	simm.s32 $0x9;
	_ =	strace $0x80000048  }
0xb3: {  	_ =	swait.ge [sflag:s29], $0x1  }
0xb4: {  	[sflag:s29] =	ssyncadd.s32 $0xFFFFFFFF  }
0xb5: {  	_ =	strace $0x90000048  }
0xb6: {  	_ =	sfence  }
0xb7: {  	s30 =	sld [smem:$0x0];
	_ =	sdelay $0x2  }
0xb8: {  	s31 =	sshll.u32 s1, $0xD;
	s1 =	sshrl.u32 s1, $0x2  }
0xb9: {  	s3 =	sand.u32 $0x4000, s31;
	s1 =	sadd.s32 s1, s30  }
0xba: {  	s0 =	sor.u32 s3, s0;
	s1 =	sshll.u32 s1, $0x11  }
0xbb: {  	s0 =	sor.u32 s1, s0  }
0xbc: {  	s0 =	sadd.s32 $0x8F2B, s0  }
0xbd: {  	[sflag:s0] =	ssyncadd.remote.s32 $0x1  }
0xbe: {  	_ =	sfence.sel $0xFFFF  }
0xbf: {  	[dreg:$0x0] =	wrdreg $0xFFFFFFFF;
	(pc) =	sbr.abs _section_cstart, $3  }
0xc0: {  	[dreg:$0x1] =	wrdreg $0xFFFFFFFF  }
0xc1: {  	_ =	task.clear_ibuf [dreg:s6], $0x2FFFF;
	_ =	strace $0x9FFFFFFF  }
0xc2: {  	(tm) =	ssettm $0x7FFFFFFF  }
0xc3: {  	_ =	shalt  }
tec
execute0_lowered:
.L_overlay_start_1:
0x0: {  	(tag) =	ssettag $0x1  }
0x1: {  	s0 =	srdreg.scid;
	s6 =	rddreg [dreg:$0x0]  }
0x2: {  	s2 =	rddreg [dreg:$0x1];
	s1 =	stileid.u32  }
0x3: {  	s3 =	simm.s32 $0x0;
	s7 =	sand.u32 $0x1, s0;
	s0 =	rddreg [dreg:$0x2]  }
0x4: {  	s13 =	simm.s32 $0x80;
	s14 =	simm.s32 $0x0;
	[smem:$0x7FF] =	sst s3  }
0x5: {  	s9 =	smul.u32 $0xA000, s1;
	s5 =	sadd.s32 $0xBE00, s6;
	s4 =	sshll.u32 s7, $0x4  }
0x6: {  	s11 =	sshll.u32 s1, $0x6;
	_ =	strace $0x80000047;
	s4 =	sor.u32 s1, s4  }
0x7: {  	s7 =	ssub.s32 $0x2, s7;
	s11 =	sor.u32 $0x1C01, s11;
	s8 =	smul.u32 $0x500, s4  }
0x8: {  	s31 =	sshrl.u32 s7, $0x1;
	s9 =	sshrl.u32 s9, $0x2;
	s4 =	sadd.s32 $0xC400, s6  }
0x9: {  	s10 =	ssub.s32 s7, s31;
	s12 =	sadd.s32 s9, s2;
	s8 =	sadd.s32 s8, s6  }
0xa: {  	s9 =	simm.s32 $0x1;
	s12 =	sshrl.u32 s12, $0x3;
	s6 =	sadd.s32 $0x1E00, s8  }
0xb: {  	s7 =	sadd.s32 $0xC600, s8;
	s8 =	smax.u32 s10, $0x1;
	s10 =	simm.s32 $0x2800  }
.LBB2_1:
0xc: {  	[tilespmem:s3], [sflag:$0x1] =	stream.linear.gather [hbm4b:s6+s3], $0x2800, $0x38;
	[tilespmem:$0x5800] =	vst v63  }
0xd: {  	_ =	swait.ge [sflag:s9], $0x2800  }
0xe: {  	[sflag:s9] =	ssyncset.done $0x0  }
0xf: {  	[sflag:s9] =	ssyncadd.s32 $0xFFFFD800  }
0x10: {  	[tilespmem:s10], [sflag:$0x1] =	stream.linear.gather [hbm4b:s4+s3], $0x800, $0x38;
	[tilespmem:$0x5800] =	vst v63  }
0x11: {  	_ =	swait.ge [sflag:s9], $0x800  }
0x12: {  	[sflag:s9] =	ssyncset.done $0x0  }
0x13: {  	[sflag:s9] =	ssyncadd.s32 $0xFFFFF800  }
0x14: {  	[spmem:s12], [sflag:s11] =	dma.local [hbm:s5], $0x500  }
0x15: {  	_ =	swait.ge [sflag:s9], $0x500  }
0x16: {  	[sflag:s9] =	ssyncset.done $0x0  }
0x17: {  	[sflag:s9] =	ssyncadd.s32 $0xFFFFFB00  }
0x18: {  	s15 =	simm.s32 $0x0;
	[bflag:$0x0] =	sbarrier.arrive $0xFFFF  }
0x19: {  	[spmem:s2] =	stream.indirect.scatter.add.f32 [tilespmem:s10], [sflag:$0x1], $0x10, s15, s13, $0xb8;
	[tilespmem:$0x5800] =	vst v63  }
0x1a: {  	_ =	swait.ge [sflag:s9], $0x800  }
0x1b: {  	s15 =	simm.s32 $0x200;
	[sflag:s9] =	ssyncset.done $0x0  }
.LBB2_2:
0x1c: {  	s16 =	sshra.s32 s15, $0x2;
	[sflag:s9] =	ssyncadd.s32 $0xFFFFF800;
	p0 =	sne.s32 s15, $0x9E00  }
0x1d: {  	[spmem:s2] =	stream.indirect.scatter.add.f32 [tilespmem:s10], [sflag:$0x1], $0x10, s16, s13, $0xb8;
	[tilespmem:$0x5800] =	vst v63  }
.Ltmp0:
0x1e: {  	_ = 	snop;
	(pc) =	sbr.rel @p0 .LBB2_2-.Ltmp0, $4  }
0x1f: {  	_ = 	snop  }
0x20: {  	s15 =	sadd.s32 $0x200, s15  }
0x21: {  	_ =	swait.ge [sflag:s9], $0x800  }
0x22: {  	[sflag:s9] =	ssyncset.done $0x0  }
0x23: {  	s14 =	sadd.s32 $0x1, s14  }
0x24: {  	[sflag:s9] =	ssyncadd.s32 $0xFFFFF800;
	p0 =	sne.s32 s14, s8  }
.Ltmp1:
0x25: {  	[bflag:$0x0] =	sbarrier.arrive $0xFFFF;
	(pc) =	sbr.rel @p0 .LBB2_1-.Ltmp1, $4  }
0x26: {  	[hbm:s7], [sflag:s11] =	dma.local [spmem:s12], $0x500  }
0x27: {  	_ =	swait.ge [sflag:s9], $0x500  }
0x28: {  	[sflag:s9] =	ssyncset.done $0x0  }
0x29: {  	[sflag:s9] =	ssyncadd.s32 $0xFFFFFB00  }
0x2a: {  	_ =	sfence.sel $0x180000  }
0x2b: {  	[bflag:$0x0] =	sbarrier.arrive $0xFFFF  }
0x2c: {  	p0 =	sne.s32 s1, $0x0;
	_ =	strace $0x90000047  }
0x2d: {  	s0 =	sadd.s32 @!p0 $0x100000, s0;
	[bflag:$0x2] =	sbarrier.arrive $0xFFFF  }
0x2e: {  	[sflag:s0] =	ssyncadd.tile.s32 @!p0 $0x1;
	_ =	shalt  }
.Lfunc_end2:
_tile_overlayer_lowered:
.L_overlay_start_2:
0x2f: {  	(tag) =	ssettag $0x2  }
0x30: {  	s0 =	rddreg [dreg:$0x0];
	s2 =	stileid.u32  }
0x31: {  	s1 =	rddreg [dreg:$0x1];
	p0 =	sne.s32 s2, $0x0  }
0x32: {  	s3 =	rddreg [dreg:$0x2];
	[bflag:$0x3] =	sbarrier.arrive $0xFFFF;
	s2 =	simm.s32 @!p0 $0x1C01  }
0x33: {  	[timem:s3], [sflag:s2] =	dma.local @!p0 [hbm:s0], s1  }
0x34: {  	s0 =	simm.s32 @!p0 $0x1  }
0x35: {  	_ =	swait.ge @!p0 [sflag:s0], s1  }
0x36: {  	s1 =	ssub.s32 @!p0 $0x0, s1;
	[sflag:s0] =	ssyncset.done @!p0 $0x0  }
0x37: {  	[sflag:s0] =	ssyncadd.s32 @!p0 s1  }
0x38: {  	[bflag:$0x3] =	sbarrier.arrive $0xFFFF  }
0x39: {  	_ =	shalt  }

// kernel: kernel.9.cloned.1.call-start
scs
__scs_entry_jumppad:
0x0: {  	(pc) =	sbr.rel $0x88, $3  }
0x1: {  	(tag) =	ssettag $0x0;
	lr =	simm.s32 $0x1  }
0x2: {  	[smem:$0x3F95] =	sst lr;
	_ =	strace $0xD0000000  }
0x3: {  	_ = 	snop  }
0x4: {  	_ = 	snop  }
0x5: {  	_ = 	snop  }
0x6: {  	_ = 	snop  }
0x7: {  	_ = 	snop  }
__scs_overlays_trampoline_lowered:
0x8: {  	[smem:$0x3FA4] =	sst s0  }
0x9: {  	[smem:$0x3FA5] =	sst s1  }
0xa: {  	[smem:$0x3FA6] =	sst s2  }
0xb: {  	[smem:$0x3FA7] =	sst s3  }
0xc: {  	[smem:$0x3FA8] =	sst s4  }
0xd: {  	[smem:$0x3FA9] =	sst s5  }
0xe: {  	[smem:$0x3FAA] =	sst s6  }
0xf: {  	[smem:$0x3FAB] =	sst s7  }
0x10: {  	[smem:$0x3FAC] =	sst s8  }
0x11: {  	[smem:$0x3FAD] =	sst s9;
	s0 =	simm.s32 @!p0 $0x0  }
0x12: {  	s1 =	sld [smem:$0x3F93];
	s0 =	simm.s32 @p0 $0x1  }
0x13: {  	[smem:$0x3FAE] =	sst s0;
	s0 =	simm.s32 @!p1 $0x0  }
0x14: {  	s2 =	sld [smem:$0x3F92];
	s0 =	simm.s32 @p1 $0x1  }
0x15: {  	[smem:$0x3FAF] =	sst s0;
	s0 =	simm.s32 @!p2 $0x0  }
0x16: {  	s3 =	sld [smem:$0x3FDB];
	s0 =	simm.s32 @p2 $0x1  }
0x17: {  	s4 =	simm.s32 $0x1BF5;
	[smem:$0x3FB1] =	sst s0  }
0x18: {  	s0 =	sld [smem:$0x3F94];
	_ =	swait.ge [sflag:s4], $0x0  }
0x19: {  	s7 =	sld [smem:$0x3F95]  }
0x1a: {  	s8 =	sadd.s32 $0xFFFFE003, lr  }
0x1b: {  	s9 =	sadd.s32 $0xFFFFFEF7, lr;
	s5 =	simm.s32 $0xFFFFFFFF;
	p2 =	slt.u32 s8, $0xFFFFF086  }
0x1c: {  	p1 =	slt.u32 s9, $0xF7A;
	s5 =	simm.s32 @!p2 $0x0  }
0x1d: {  	s5 =	simm.s32 @p1 $0x1;
	p0 =	seq.s32 s7, s2  }
0x1e: {  	s7 =	smul.u32 @!p0 $0xF7A, s2;
	p2 =	seq.s32 @!p0 s5, $0x0  }
0x1f: {  	s9 =	smul.u32 $0xF7A, s1;
	s8 =	simm.s32 @!p0 $0x1BF5;
	p2 =	por !p2, p0  }
0x20: {  	[sflag:s8] =	ssyncset.s32 @!p0 $0xFFFFF086;
	s6 =	sadd.s32 @!p0 s3, s7;
	s7 =	simm.s32 @!p0 $0x108  }
0x21: {  	s3 =	sadd.s32 s3, s9;
	s6 =	sadd.s32 @!p0 $0x88, s6;
	s7 =	simm.s32 @p2 $0x1082  }
0x22: {  	[simem:s7], [sflag:s8] =	dma.local @!p0 [hbm:s6], $0xF7A  }
0x23: {  	s9 =	sor.u32 $0xD0000000, s2;
	s6 =	simm.s32 $0x108;
	_ =	swait.ge @!p0 [sflag:s8], $0x0  }
0x24: {  	s3 =	sadd.s32 $0x88, s3;
	s6 =	simm.s32 @!p1 $0x1082;
	[sflag:s4] =	ssyncset.s32 $0xFFFFF086  }
0x25: {  	[simem:s6], [sflag:s4] =	dma.local [hbm:s3], $0xF7A  }
0x26: {  	[smem:$0x3F95] =	sst s1;
	(tag) =	ssettag s2;
	_ =	strace s9  }
0x27: {  	s1 =	sld [smem:$0x3FA5]  }
0x28: {  	s2 =	sld [smem:$0x3FA6]  }
0x29: {  	s4 =	sld [smem:$0x3FA8]  }
0x2a: {  	p0 =	seq.s32 s5, $0x0;
	s5 =	sld [smem:$0x3FA9]  }
0x2b: {  	s6 =	sld [smem:$0x3FAA]  }
0x2c: {  	s7 =	sld [smem:$0x3FAB]  }
0x2d: {  	s3 =	simm.s32 $0x108;
	s8 =	sld [smem:$0x3FAC]  }
0x2e: {  	s3 =	simm.s32 @!p0 $0x1082;
	s9 =	sld [smem:$0x3FAD]  }
0x2f: {  	lr =	sadd.s32 s0, s3;
	s0 =	sld [smem:$0x3FA4]  }
0x30: {  	s3 =	sld [smem:$0x3FA7]  }
0x31: {  	[smem:$0x3FB0] =	sst s10  }
0x32: {  	s10 =	sld [smem:$0x3FAE];
	_ =	sdelay $0x3  }
0x33: {  	p0 =	seq.s32 s10, $0x1;
	s10 =	sld [smem:$0x3FB0];
	_ =	sdelay $0x3  }
0x34: {  	[smem:$0x3FB0] =	sst s10  }
0x35: {  	s10 =	sld [smem:$0x3FAF];
	_ =	sdelay $0x3  }
0x36: {  	p1 =	seq.s32 s10, $0x1;
	s10 =	sld [smem:$0x3FB0];
	_ =	sdelay $0x3  }
0x37: {  	[smem:$0x3FB0] =	sst s10  }
0x38: {  	s10 =	sld [smem:$0x3FB1]  }
0x39: {  	_ = 	snop;
	(pc) =	sbr.ind lr, $3  }
0x3a: {  	_ = 	snop  }
0x3b: {  	_ = 	snop  }
0x3c: {  	p2 =	seq.s32 s10, $0x1;
	s10 =	sld [smem:$0x3FB0]  }
0x3d: {  	_ =	shalt  }
0x3e: {  	_ =	shalt  }
0x3f: {  	_ =	shalt  }
0x40: {  	_ =	shalt  }
0x41: {  	_ =	shalt  }
0x42: {  	_ =	shalt  }
0x43: {  	_ =	shalt  }
0x44: {  	_ =	shalt  }
0x45: {  	_ =	shalt  }
0x46: {  	_ =	shalt  }
0x47: {  	_ =	shalt  }
0x48: {  	_ =	shalt  }
0x49: {  	_ =	shalt  }
0x4a: {  	_ =	shalt  }
0x4b: {  	_ =	shalt  }
0x4c: {  	_ =	shalt  }
0x4d: {  	_ =	shalt  }
0x4e: {  	_ =	shalt  }
0x4f: {  	_ =	shalt  }
0x50: {  	_ =	shalt  }
0x51: {  	_ =	shalt  }
0x52: {  	_ =	shalt  }
0x53: {  	_ =	shalt  }
0x54: {  	_ =	shalt  }
0x55: {  	_ =	shalt  }
0x56: {  	_ =	shalt  }
0x57: {  	_ =	shalt  }
0x58: {  	_ =	shalt  }
0x59: {  	_ =	shalt  }
0x5a: {  	_ =	shalt  }
0x5b: {  	_ =	shalt  }
0x5c: {  	_ =	shalt  }
0x5d: {  	_ =	shalt  }
0x5e: {  	_ =	shalt  }
0x5f: {  	_ =	shalt  }
0x60: {  	_ =	shalt  }
0x61: {  	_ =	shalt  }
0x62: {  	_ =	shalt  }
0x63: {  	_ =	shalt  }
0x64: {  	_ =	shalt  }
0x65: {  	_ =	shalt  }
0x66: {  	_ =	shalt  }
0x67: {  	_ =	shalt  }
0x68: {  	_ =	shalt  }
0x69: {  	_ =	shalt  }
0x6a: {  	_ =	shalt  }
0x6b: {  	_ =	shalt  }
0x6c: {  	_ =	shalt  }
0x6d: {  	_ =	shalt  }
0x6e: {  	_ =	shalt  }
0x6f: {  	_ =	shalt  }
0x70: {  	_ =	shalt  }
0x71: {  	_ =	shalt  }
0x72: {  	_ =	shalt  }
0x73: {  	_ =	shalt  }
0x74: {  	_ =	shalt  }
0x75: {  	_ =	shalt  }
0x76: {  	_ =	shalt  }
0x77: {  	_ =	shalt  }
0x78: {  	_ =	shalt  }
0x79: {  	_ =	shalt  }
0x7a: {  	_ =	shalt  }
0x7b: {  	_ =	shalt  }
0x7c: {  	_ =	shalt  }
0x7d: {  	_ =	shalt  }
0x7e: {  	_ =	shalt  }
0x7f: {  	_ =	shalt  }
0x80: {  	_ =	shalt  }
0x81: {  	_ =	shalt  }
0x82: {  	_ =	shalt  }
0x83: {  	_ =	shalt  }
0x84: {  	_ =	shalt  }
0x85: {  	_ =	shalt  }
0x86: {  	_ =	shalt  }
0x87: {  	_ =	shalt  }
.Lfunc_end0:
.L_simem_size_0:
called_computation.1_lowered:
.L_overlay_start_0:
0x88: {  	s2 =	sld [smem:$0x3FD9]  }
0x89: {  	s3 =	sld [smem:$0x3FFE];
	_ =	sdelay $0x1  }
0x8a: {  	s1 =	srdreg.scid  }
0x8b: {  	s0 =	sand.u32 $0x1, s1  }
0x8c: {  	s16 =	sshll.u32 s0, $0xA;
	s2 =	sadd.s32 s3, s2  }
0x8d: {  	s2 =	sadd.s32 s2, s16  }
0x8e: {  	[smem:$0x3FBC] =	sst s2  }
0x8f: {  	_ = 	snop  }
0x90: {  	(tm) =	ssettm $0x1  }
0x91: {  	s17 =	sld [smem:$0x3FFB];
	_ =	sdelay $0x3  }
0x92: {  	_ =	strace s17  }
0x93: {  	s2 =	sld [smem:$0x3FFC];
	_ =	sdelay $0x3  }
0x94: {  	_ =	strace s2  }
0x95: {  	s2 =	sld [smem:$0x3FFD];
	_ =	sdelay $0x3  }
0x96: {  	_ =	strace s2  }
0x97: {  	_ =	strace $0x8FFFFFFF  }
0x98: {  	s18 =	sld [smem:$0x3FDB];
	_ =	sdelay $0x1  }
0x99: {  	s19 =	simm.s32 $_scs_section_size  }
0x9a: {  	s4 =	simm.s32 $_size__tile_overlayer_lowered;
	s5 =	simm.s32 $_tile_overlayer_lowered  }
0x9b: {  	s22 =	simm.s32 $0x1BFF;
	s21 =	sshll.u32 s5, $0x1;
	s2 =	sadd.s32 s19, s18  }
0x9c: {  	s6 =	simm.s32 $0x0;
	s20 =	sshll.u32 s4, $0x1;
	s4 =	sadd.s32 s21, s2  }
0x9d: {  	[timem:s6], [sflag:s22] =	dma.local [hbm:s4], s20  }
0x9e: {  	_ =	swait.ge [sflag:s22], s20  }
0x9f: {  	s3 =	ssub.s32 $0x0, s20;
	[sflag:s22] =	ssyncset.done $0x0  }
0xa0: {  	[sflag:s22] =	ssyncadd.s32 s3;
	_ =	sdelay $0x1  }
0xa1: {  	s23 =	simm.s32 $0x1B8B  }
0xa2: {  	_ =	swait.ge [sflag:s23], $0x1  }
0xa3: {  	[sflag:s23] =	ssyncset.done $0x0  }
0xa4: {  	s25 =	simm.s32 $0x1B8E;
	s24 =	sld [smem:$0x3FFE];
	[sflag:s23] =	ssyncadd.s32 $0xFFFFFFFF  }
0xa5: {  	s26 =	simm.s32 $execute0_lowered;
	[smem:$0x3FD2] =	sst s25  }
0xa6: {  	s4 =	sshll.u32 s26, $0x1;
	_ =	strace $0x80000049;
	[dreg:$0x1] =	wrdreg $0xFFFFFFFF  }
0xa7: {  	s28 =	simm.s32 $_size_execute0_lowered;
	s2 =	sadd.s32 s2, s4;
	[dreg:$0x0] =	wrdreg $0x0  }
0xa8: {  	s4 =	sshll.u32 s28, $0x1;
	[dreg:$0x2] =	wrdreg s2  }
0xa9: {  	[dreg:$0x3] =	wrdreg s4  }
0xaa: {  	[dreg:$0x4] =	wrdreg $0xC0  }
0xab: {  	_ =	task [dreg:s6], $0x5FFFF  }
0xac: {  	[dreg:$0x1] =	wrdreg $0xFFFFFFFF  }
0xad: {  	[dreg:$0x0] =	wrdreg $0x60  }
0xae: {  	[dreg:$0x2] =	wrdreg s24  }
0xaf: {  	[dreg:$0x3] =	wrdreg $0x130000  }
0xb0: {  	[dreg:$0x4] =	wrdreg $0x90000  }
0xb1: {  	[dreg:$0x5] =	wrdreg $0x9  }
0xb2: {  	_ =	task.clear_ibuf [dreg:s6], $0x6FFFF;
	_ =	strace $0x90000049  }
0xb3: {  	s29 =	simm.s32 $0x9;
	_ =	strace $0x8000004B  }
0xb4: {  	_ =	swait.ge [sflag:s29], $0x1  }
0xb5: {  	[sflag:s29] =	ssyncadd.s32 $0xFFFFFFFF  }
0xb6: {  	_ =	strace $0x9000004B  }
0xb7: {  	_ =	sfence  }
0xb8: {  	s30 =	sld [smem:$0x0];
	_ =	sdelay $0x2  }
0xb9: {  	s31 =	sshll.u32 s1, $0xD;
	s1 =	sshrl.u32 s1, $0x2  }
0xba: {  	s3 =	sand.u32 $0x4000, s31;
	s1 =	sadd.s32 s1, s30  }
0xbb: {  	s0 =	sor.u32 s3, s0;
	s1 =	sshll.u32 s1, $0x11  }
0xbc: {  	s0 =	sor.u32 s1, s0  }
0xbd: {  	s0 =	sadd.s32 $0x8F2B, s0  }
0xbe: {  	[sflag:s0] =	ssyncadd.remote.s32 $0x1  }
0xbf: {  	_ =	sfence.sel $0xFFFF  }
0xc0: {  	[dreg:$0x0] =	wrdreg $0xFFFFFFFF;
	(pc) =	sbr.abs _section_cstart, $3  }
0xc1: {  	[dreg:$0x1] =	wrdreg $0xFFFFFFFF  }
0xc2: {  	_ =	task.clear_ibuf [dreg:s6], $0x2FFFF;
	_ =	strace $0x9FFFFFFF  }
0xc3: {  	(tm) =	ssettm $0x7FFFFFFF  }
tec
execute0_lowered:
.L_overlay_start_1:
0x0: {  	(tag) =	ssettag $0x1  }
0x1: {  	s6 =	rddreg [dreg:$0x0]  }
0x2: {  	s2 =	rddreg [dreg:$0x1]  }
0x3: {  	s3 =	rddreg [dreg:$0x2];
	s4 =	srdreg.scid  }
0x4: {  	s0 =	rddreg [dreg:$0x3];
	s1 =	stileid.u32  }
0x5: {  	s16 =	simm.s32 $0x80;
	s17 =	simm.s32 $0x5000;
	s18 =	simm.s32 $0x7000  }
0x6: {  	s19 =	simm.s32 $0x1;
	s20 =	simm.s32 $0x2;
	s21 =	simm.s32 $0x2780  }
0x7: {  	s22 =	simm.s32 $0x4F00;
	s23 =	simm.s32 $0x4F80;
	s24 =	simm.s32 $0x0  }
0x8: {  	s5 =	sand.u32 $0x1, s4;
	s4 =	simm.s32 $0x0;
	s9 =	smul.u32 $0xA000, s1  }
0x9: {  	s31 =	sshll.u32 s1, $0x6;
	s7 =	sshll.u32 s5, $0x4;
	[smem:$0x7FF] =	sst s4  }
0xa: {  	s11 =	ssub.s32 $0x2, s5;
	s5 =	sadd.s32 $0xBE00, s6;
	s7 =	sor.u32 s1, s7  }
0xb: {  	_ =	strace $0x8000004A;
	s8 =	sshrl.u32 s9, $0x3;
	s12 =	sshrl.u32 s11, $0x1  }
0xc: {  	s14 =	sadd.s32 s9, s2;
	s15 =	sadd.s32 s9, s3;
	s10 =	smul.u32 $0x500, s7  }
0xd: {  	s8 =	sadd.s32 s8, s6;
	s7 =	smul.u32 $0x1400, s7;
	s11 =	ssub.s32 s11, s12  }
0xe: {  	s12 =	simm.s32 $0x2800;
	s14 =	sshrl.u32 s14, $0x3;
	s15 =	sshrl.u32 s15, $0x3  }
0xf: {  	s8 =	sadd.s32 $0x20600, s8;
	s10 =	sadd.s32 s10, s6;
	s13 =	sadd.s32 s7, s6  }
0x10: {  	s6 =	sadd.s32 $0x16600, s10;
	s7 =	sadd.s32 $0x1E00, s10;
	s9 =	sadd.s32 $0x34600, s13  }
0x11: {  	s10 =	smax.u32 s11, $0x1;
	s11 =	simm.s32 $0x3;
	s13 =	sor.u32 $0x1C03, s31  }
.LBB2_1:
0x12: {  	[tilespmem:s4], [sflag:$0x3] =	stream.linear.gather [hbm4b:s6+s4], $0x2800, $0x38;
	[tilespmem:$0x1D000] =	vst v63  }
0x13: {  	_ =	swait.ge [sflag:s11], $0x2800  }
0x14: {  	[sflag:s11] =	ssyncset.done $0x0  }
0x15: {  	[sflag:s11] =	ssyncadd.s32 $0xFFFFD800  }
0x16: {  	[tilespmem:s12], [sflag:$0x3] =	stream.linear.gather [hbm4b:s7+s4], $0x2800, $0x38;
	[tilespmem:$0x1D000] =	vst v63  }
0x17: {  	_ =	swait.ge [sflag:s11], $0x2800  }
0x18: {  	[sflag:s11] =	ssyncset.done $0x0  }
0x19: {  	[sflag:s11] =	ssyncadd.s32 $0xFFFFD800  }
0x1a: {  	[spmem:s14], [sflag:s13] =	dma.local [hbm:s8], $0x1400  }
0x1b: {  	_ =	swait.ge [sflag:s11], $0x1400  }
0x1c: {  	[sflag:s11] =	ssyncset.done $0x0  }
0x1d: {  	[sflag:s11] =	ssyncadd.s32 $0xFFFFEC00  }
0x1e: {  	[spmem:s15], [sflag:s13] =	dma.local [hbm:s5], $0x1400  }
0x1f: {  	_ =	swait.ge [sflag:s11], $0x1400  }
0x20: {  	[sflag:s11] =	ssyncset.done $0x0  }
0x21: {  	[sflag:s11] =	ssyncadd.s32 $0xFFFFEC00  }
0x22: {  	[bflag:$0x0] =	sbarrier.arrive $0xFFFF  }
0x23: {  	[tilespmem:s17], [sflag:$0x1] =	stream.indirect.gather [spmem:s2], $0x40, s4, s16, $0xb8;
	[tilespmem:$0x1D000] =	vst v63  }
0x24: {  	s25 =	simm.s32 $0x80  }
0x25: {  	[tilespmem:s18], [sflag:$0x2] =	stream.indirect.gather [spmem:s2], $0x40, s25, s16, $0xb8;
	[tilespmem:$0x1D000] =	vst v63  }
0x26: {  	_ =	swait.ge [sflag:s19], $0x2000  }
0x27: {  	[sflag:s19] =	ssyncset.done $0x0  }
0x28: {  	s29 =	simm.s32 $0x2800;
	[sflag:s19] =	ssyncadd.s32 $0xFFFFE000  }
0x29: {  	[spmem:s3] =	stream.indirect.scatter.add.f32 [tilespmem:s17], [sflag:$0x3], $0x40, s29, s16, $0xb8;
	[tilespmem:$0x1D000] =	vst v63  }
0x2a: {  	_ =	swait.ge [sflag:s11], $0x2000  }
0x2b: {  	[sflag:s11] =	ssyncset.done $0x0  }
0x2c: {  	s30 =	simm.s32 $0x100;
	[sflag:s11] =	ssyncadd.s32 $0xFFFFE000  }
0x2d: {  	[tilespmem:s17], [sflag:$0x1] =	stream.indirect.gather [spmem:s2], $0x40, s30, s16, $0xb8;
	[tilespmem:$0x1D000] =	vst v63  }
0x2e: {  	_ =	swait.ge [sflag:s20], $0x2000  }
0x2f: {  	[sflag:s20] =	ssyncset.done $0x0  }
0x30: {  	s31 =	simm.s32 $0x2880;
	[sflag:s20] =	ssyncadd.s32 $0xFFFFE000  }
0x31: {  	[spmem:s3] =	stream.indirect.scatter.add.f32 [tilespmem:s18], [sflag:$0x3], $0x40, s31, s16, $0xb8;
	[tilespmem:$0x1D000] =	vst v63  }
0x32: {  	_ =	swait.ge [sflag:s11], $0x2000  }
0x33: {  	s26 =	simm.s32 $0x800;
	s25 =	simm.s32 $0x100;
	[sflag:s11] =	ssyncset.done $0x0  }
.LBB2_2:
0x34: {  	s28 =	sadd.s32 $0x80, s25  }
0x35: {  	[sflag:s11] =	ssyncadd.s32 $0xFFFFE000;
	s29 =	smov.u32 s26;
	s30 =	sadd.s32 $0x400, s26  }
0x36: {  	[tilespmem:s18], [sflag:$0x2] =	stream.indirect.gather [spmem:s2], $0x40, s28, s16, $0xb8;
	[tilespmem:$0x1D000] =	vst v63  }
0x37: {  	p0 =	sne.s32 s26, $0x9800;
	_ =	swait.ge [sflag:s19], $0x2000  }
0x38: {  	[sflag:s19] =	ssyncset.done $0x0  }
0x39: {  	s26 =	sadd.s32 $0x2800, s25;
	[sflag:s19] =	ssyncadd.s32 $0xFFFFE000  }
0x3a: {  	[spmem:s3] =	stream.indirect.scatter.add.f32 [tilespmem:s17], [sflag:$0x3], $0x40, s26, s16, $0xb8;
	[tilespmem:$0x1D000] =	vst v63  }
0x3b: {  	_ =	swait.ge [sflag:s11], $0x2000  }
0x3c: {  	[sflag:s11] =	ssyncset.done $0x0  }
0x3d: {  	s26 =	sadd.s32 $0x100, s25;
	[sflag:s11] =	ssyncadd.s32 $0xFFFFE000  }
0x3e: {  	[tilespmem:s17], [sflag:$0x1] =	stream.indirect.gather [spmem:s2], $0x40, s26, s16, $0xb8;
	[tilespmem:$0x1D000] =	vst v63  }
0x3f: {  	_ =	swait.ge [sflag:s20], $0x2000  }
.Ltmp0:
0x40: {  	[sflag:s20] =	ssyncset.done $0x0;
	(pc) =	sbr.rel @p0 .LBB2_2-.Ltmp0, $4  }
0x41: {  	s25 =	sadd.s32 $0x2880, s25;
	[sflag:s20] =	ssyncadd.s32 $0xFFFFE000  }
0x42: {  	[spmem:s3] =	stream.indirect.scatter.add.f32 [tilespmem:s18], [sflag:$0x3], $0x40, s25, s16, $0xb8;
	[tilespmem:$0x1D000] =	vst v63  }
0x43: {  	_ =	swait.ge [sflag:s11], $0x2000  }
0x44: {  	s26 =	smov.u32 s30;
	s25 =	sshra.s32 s29, $0x2;
	[sflag:s11] =	ssyncset.done $0x0  }
0x45: {  	s26 =	sadd.s32 $0x80, s25;
	[sflag:s11] =	ssyncadd.s32 $0xFFFFE000  }
0x46: {  	[tilespmem:s18], [sflag:$0x2] =	stream.indirect.gather [spmem:s2], $0x40, s26, s16, $0xb8;
	[tilespmem:$0x1D000] =	vst v63  }
0x47: {  	_ =	swait.ge [sflag:s19], $0x2000  }
0x48: {  	[sflag:s19] =	ssyncset.done $0x0  }
0x49: {  	s29 =	sadd.s32 $0x2800, s25;
	[sflag:s19] =	ssyncadd.s32 $0xFFFFE000  }
0x4a: {  	[spmem:s3] =	stream.indirect.scatter.add.f32 [tilespmem:s17], [sflag:$0x3], $0x40, s29, s16, $0xb8;
	[tilespmem:$0x1D000] =	vst v63  }
0x4b: {  	_ =	swait.ge [sflag:s11], $0x2000  }
0x4c: {  	[sflag:s11] =	ssyncset.done $0x0  }
0x4d: {  	s30 =	sadd.s32 $0x100, s25;
	[sflag:s11] =	ssyncadd.s32 $0xFFFFE000  }
0x4e: {  	[tilespmem:s17], [sflag:$0x1] =	stream.indirect.gather [spmem:s2], $0x40, s30, s16, $0xb8;
	[tilespmem:$0x1D000] =	vst v63  }
0x4f: {  	_ =	swait.ge [sflag:s20], $0x2000  }
0x50: {  	[sflag:s20] =	ssyncset.done $0x0  }
0x51: {  	s31 =	sadd.s32 $0x2880, s25;
	[sflag:s20] =	ssyncadd.s32 $0xFFFFE000  }
0x52: {  	[spmem:s3] =	stream.indirect.scatter.add.f32 [tilespmem:s18], [sflag:$0x3], $0x40, s31, s16, $0xb8;
	[tilespmem:$0x1D000] =	vst v63  }
0x53: {  	_ =	swait.ge [sflag:s11], $0x2000  }
0x54: {  	[sflag:s11] =	ssyncset.done $0x0  }
0x55: {  	[sflag:s11] =	ssyncadd.s32 $0xFFFFE000  }
0x56: {  	[tilespmem:s18], [sflag:$0x2] =	stream.indirect.gather [spmem:s2], $0x40, s21, s16, $0xb8;
	[tilespmem:$0x1D000] =	vst v63  }
0x57: {  	_ =	swait.ge [sflag:s19], $0x2000  }
0x58: {  	[sflag:s19] =	ssyncset.done $0x0  }
0x59: {  	[sflag:s19] =	ssyncadd.s32 $0xFFFFE000  }
0x5a: {  	[spmem:s3] =	stream.indirect.scatter.add.f32 [tilespmem:s17], [sflag:$0x3], $0x40, s22, s16, $0xb8;
	[tilespmem:$0x1D000] =	vst v63  }
0x5b: {  	_ =	swait.ge [sflag:s11], $0x2000  }
0x5c: {  	[sflag:s11] =	ssyncset.done $0x0  }
0x5d: {  	[sflag:s11] =	ssyncadd.s32 $0xFFFFE000  }
0x5e: {  	_ =	swait.ge [sflag:s20], $0x2000  }
0x5f: {  	[sflag:s20] =	ssyncset.done $0x0  }
0x60: {  	[sflag:s20] =	ssyncadd.s32 $0xFFFFE000  }
0x61: {  	[spmem:s3] =	stream.indirect.scatter.add.f32 [tilespmem:s18], [sflag:$0x3], $0x40, s23, s16, $0xb8;
	[tilespmem:$0x1D000] =	vst v63  }
0x62: {  	_ =	swait.ge [sflag:s11], $0x2000  }
0x63: {  	s24 =	sadd.s32 $0x1, s24;
	[sflag:s11] =	ssyncset.done $0x0  }
0x64: {  	p0 =	sne.s32 s24, s10;
	[sflag:s11] =	ssyncadd.s32 $0xFFFFE000  }
.Ltmp1:
0x65: {  	[bflag:$0x0] =	sbarrier.arrive $0xFFFF;
	(pc) =	sbr.rel @p0 .LBB2_1-.Ltmp1, $4  }
0x66: {  	[hbm:s9], [sflag:s13] =	dma.local [spmem:s15], $0x1400  }
0x67: {  	_ =	swait.ge [sflag:s11], $0x1400  }
0x68: {  	[sflag:s11] =	ssyncset.done $0x0  }
0x69: {  	[sflag:s11] =	ssyncadd.s32 $0xFFFFEC00  }
0x6a: {  	_ =	sfence.sel $0x180000  }
0x6b: {  	[bflag:$0x0] =	sbarrier.arrive $0xFFFF  }
0x6c: {  	p0 =	sne.s32 s1, $0x0;
	_ =	strace $0x9000004A  }
0x6d: {  	s0 =	sadd.s32 @!p0 $0x100000, s0;
	[bflag:$0x2] =	sbarrier.arrive $0xFFFF  }
0x6e: {  	[sflag:s0] =	ssyncadd.tile.s32 @!p0 $0x1;
	_ =	shalt  }
.Lfunc_end2:
_tile_overlayer_lowered:
.L_overlay_start_2:
0x6f: {  	(tag) =	ssettag $0x2  }
0x70: {  	s0 =	rddreg [dreg:$0x0];
	s2 =	stileid.u32  }
0x71: {  	s1 =	rddreg [dreg:$0x1];
	p0 =	sne.s32 s2, $0x0  }
0x72: {  	s3 =	rddreg [dreg:$0x2];
	[bflag:$0x3] =	sbarrier.arrive $0xFFFF;
	s2 =	simm.s32 @!p0 $0x1C03  }
0x73: {  	[timem:s3], [sflag:s2] =	dma.local @!p0 [hbm:s0], s1  }
0x74: {  	s0 =	simm.s32 @!p0 $0x3  }
0x75: {  	_ =	swait.ge @!p0 [sflag:s0], s1  }
0x76: {  	s1 =	ssub.s32 @!p0 $0x0, s1;
	[sflag:s0] =	ssyncset.done @!p0 $0x0  }
0x77: {  	[sflag:s0] =	ssyncadd.s32 @!p0 s1  }
0x78: {  	[bflag:$0x3] =	sbarrier.arrive $0xFFFF  }
0x79: {  	_ =	shalt  }

</sc_bundles>
